<compile_context>
chip_gen: v7x
topology: tpu7x:2x2x1
jax: 0.10.2.dev20260603
libtpu: 0.0.44.dev20260713+nightly
codegen_flags: <defaults>
</compile_context>

<pallas_src>
import functools

import jax
import jax.numpy as jnp
from jax import lax
from jax.experimental import pallas as pl
from jax.experimental.pallas import tpu as pltpu
from jax.experimental.pallas import tpu_sc as plsc

N = 10000
E = 320000
DIN = 128
DH = 128
DOUT = 2
G = 64

NC = 2
NS = 16
NW = NC * NS
EPW = E // NW
RPT = N // NS
DCNT = 16
DQ = 16
KC1 = 50
KCQ = 125

BN = 10000
NB = N // BN


def _make_seg_sum(D, kc):
    nch = EPW // kc
    mesh = plsc.VectorSubcoreMesh(core_axis_name="core", subcore_axis_name="subcore")

    def body(vals_hbm, src_hbm, dst_hbm, zeros_hbm, out_hbm,
             src_v, dst_v, rows0, rows1, acc_sh, sem0, sem1):
        c = lax.axis_index("core")
        s = lax.axis_index("subcore")
        wid = c * NS + s
        pltpu.sync_copy(src_hbm.at[wid], src_v)
        pltpu.sync_copy(dst_hbm.at[wid], dst_v)
        pltpu.sync_copy(zeros_hbm, acc_sh.at[pl.ds(s * RPT, RPT)])
        plsc.subcore_barrier()

        pltpu.async_copy(vals_hbm.at[src_v.at[0]], rows0, sem0)

        @pl.loop(0, nch, step=2)
        def _(j):
            pltpu.async_copy(vals_hbm.at[src_v.at[j + 1]], rows1, sem1)
            pltpu.make_async_copy(vals_hbm.at[pl.ds(0, kc)], rows0, sem0).wait()
            pltpu.sync_copy(rows0, acc_sh.at[dst_v.at[j]], add=True)

            @pl.when(j + 2 < nch)
            def _():
                pltpu.async_copy(vals_hbm.at[src_v.at[j + 2]], rows0, sem0)

            pltpu.make_async_copy(vals_hbm.at[pl.ds(0, kc)], rows1, sem1).wait()
            pltpu.sync_copy(rows1, acc_sh.at[dst_v.at[j + 1]], add=True)

        plsc.subcore_barrier()
        pltpu.sync_copy(acc_sh.at[pl.ds(s * RPT, RPT)],
                        out_hbm.at[c, pl.ds(s * RPT, RPT)])

    return pl.kernel(
        body,
        out_type=jax.ShapeDtypeStruct((NC, N, D), jnp.float32),
        mesh=mesh,
        compiler_params=pltpu.CompilerParams(use_tc_tiling_on_sc=False),
        scratch_types=[
            pltpu.VMEM((nch, kc), jnp.int32),
            pltpu.VMEM((nch, kc), jnp.int32),
            pltpu.VMEM((kc, D), jnp.float32),
            pltpu.VMEM((kc, D), jnp.float32),
            pltpu.VMEM_SHARED((N, D), jnp.float32),
            pltpu.SemaphoreType.DMA,
            pltpu.SemaphoreType.DMA,
        ],
    )


_make_seg_sum = functools.cache(_make_seg_sum)


def _make_seg_sum1(kc):
    nch = EPW // kc
    mesh = plsc.VectorSubcoreMesh(core_axis_name="core", subcore_axis_name="subcore")

    def body(vals_hbm, src_hbm, dst_hbm, zf_hbm, zc_hbm, ones_hbm,
             out_hbm, outc_hbm,
             src_v, dst_v, rows0, rows1, ones_v, acc_sh, cnt_sh, sem0, sem1):
        c = lax.axis_index("core")
        s = lax.axis_index("subcore")
        wid = c * NS + s
        pltpu.sync_copy(src_hbm.at[wid], src_v)
        pltpu.sync_copy(dst_hbm.at[wid], dst_v)
        pltpu.sync_copy(ones_hbm, ones_v)
        pltpu.sync_copy(zf_hbm, acc_sh.at[pl.ds(s * RPT, RPT)])
        pltpu.sync_copy(zc_hbm, cnt_sh.at[pl.ds(s * RPT, RPT)])
        plsc.subcore_barrier()

        pltpu.async_copy(vals_hbm.at[src_v.at[0]], rows0, sem0)

        @pl.loop(0, nch, step=2)
        def _(j):
            pltpu.async_copy(vals_hbm.at[src_v.at[j + 1]], rows1, sem1)
            pltpu.make_async_copy(vals_hbm.at[pl.ds(0, kc)], rows0, sem0).wait()
            pltpu.sync_copy(rows0, acc_sh.at[dst_v.at[j]], add=True)
            pltpu.sync_copy(ones_v, cnt_sh.at[dst_v.at[j]], add=True)

            @pl.when(j + 2 < nch)
            def _():
                pltpu.async_copy(vals_hbm.at[src_v.at[j + 2]], rows0, sem0)

            pltpu.make_async_copy(vals_hbm.at[pl.ds(0, kc)], rows1, sem1).wait()
            pltpu.sync_copy(rows1, acc_sh.at[dst_v.at[j + 1]], add=True)
            pltpu.sync_copy(ones_v, cnt_sh.at[dst_v.at[j + 1]], add=True)

        plsc.subcore_barrier()
        pltpu.sync_copy(acc_sh.at[pl.ds(s * RPT, RPT)],
                        out_hbm.at[c, pl.ds(s * RPT, RPT)])
        pltpu.sync_copy(cnt_sh.at[pl.ds(s * RPT, RPT)],
                        outc_hbm.at[c, pl.ds(s * RPT, RPT)])

    return pl.kernel(
        body,
        out_type=(jax.ShapeDtypeStruct((NC, N, DIN), jnp.float32),
                  jax.ShapeDtypeStruct((NC, N, DCNT), jnp.float32)),
        mesh=mesh,
        compiler_params=pltpu.CompilerParams(use_tc_tiling_on_sc=False),
        scratch_types=[
            pltpu.VMEM((nch, kc), jnp.int32),
            pltpu.VMEM((nch, kc), jnp.int32),
            pltpu.VMEM((kc, DIN), jnp.float32),
            pltpu.VMEM((kc, DIN), jnp.float32),
            pltpu.VMEM((kc, DCNT), jnp.float32),
            pltpu.VMEM_SHARED((N, DIN), jnp.float32),
            pltpu.VMEM_SHARED((N, DCNT), jnp.float32),
            pltpu.SemaphoreType.DMA,
            pltpu.SemaphoreType.DMA,
        ],
    )


_make_seg_sum1 = functools.cache(_make_seg_sum1)


def _onehot(bf_ref):
    gi = lax.broadcasted_iota(jnp.int32, (G, BN), 0).astype(jnp.float32)
    b = jnp.broadcast_to(bf_ref[0], (G, BN))
    return jnp.where(gi == b, 1.0, 0.0).astype(jnp.float32)


def _tc1_body(agg_ref, cnt_ref, x_ref, bf_ref, wl1_ref, bl1_ref, wr1_ref,
              wl2p_ref, p_ref, cinv_ref, ph1_ref):
    i = pl.program_id(0)
    feats = agg_ref[0] + agg_ref[1]
    cnt = (cnt_ref[0] + cnt_ref[1])[:, 0:1]
    cinv = 1.0 / jnp.maximum(cnt, 1.0)
    mean = feats * cinv
    h1 = jnp.dot(mean, wl1_ref[...], preferred_element_type=jnp.float32)
    h1 = h1 + bl1_ref[...]
    h1 = h1 + jnp.dot(x_ref[...], wr1_ref[...], preferred_element_type=jnp.float32)
    h1 = jnp.maximum(h1, 0.0)
    p_ref[...] = jnp.dot(h1, wl2p_ref[...], preferred_element_type=jnp.float32)
    cinv_ref[...] = jnp.broadcast_to(cinv, (BN, DQ))
    oh = _onehot(bf_ref)

    @pl.when(i == 0)
    def _():
        ph1_ref[...] = jnp.zeros_like(ph1_ref)

    ph1_ref[...] += jnp.dot(oh, h1, preferred_element_type=jnp.float32)


def _tc1(agg, cnt, x, bf, wl1, bl1, wr1, wl2p):
    return pl.pallas_call(
        _tc1_body,
        grid=(NB,),
        in_specs=[
            pl.BlockSpec((NC, BN, DIN), lambda i: (0, i, 0)),
            pl.BlockSpec((NC, BN, DCNT), lambda i: (0, i, 0)),
            pl.BlockSpec((BN, DIN), lambda i: (i, 0)),
            pl.BlockSpec((1, 1, BN), lambda i: (i, 0, 0)),
            pl.BlockSpec((DIN, DH), lambda i: (0, 0)),
            pl.BlockSpec((1, DH), lambda i: (0, 0)),
            pl.BlockSpec((DIN, DH), lambda i: (0, 0)),
            pl.BlockSpec((DH, DQ), lambda i: (0, 0)),
        ],
        out_specs=[
            pl.BlockSpec((BN, DQ), lambda i: (i, 0)),
            pl.BlockSpec((BN, DQ), lambda i: (i, 0)),
            pl.BlockSpec((G, DH), lambda i: (0, 0)),
        ],
        out_shape=[
            jax.ShapeDtypeStruct((N, DQ), jnp.float32),
            jax.ShapeDtypeStruct((N, DQ), jnp.float32),
            jax.ShapeDtypeStruct((G, DH), jnp.float32),
        ],
    )(agg, cnt, x, bf, wl1, bl1, wr1, wl2p)


def _tc2_body(q_ref, cinv_ref, bf_ref, ph1_ref, wr2p_ref, bl2p_ref,
              hg_ref, lsm_ref, pq_acc, gc_acc):
    i = pl.program_id(0)

    @pl.when(i == 0)
    def _():
        pq_acc[...] = jnp.zeros_like(pq_acc)
        gc_acc[...] = jnp.zeros_like(gc_acc)

    qq = (q_ref[0] + q_ref[1]) * cinv_ref[...]
    oh = _onehot(bf_ref)
    pq_acc[...] += jnp.dot(oh, qq, preferred_element_type=jnp.float32)
    gc_acc[...] += jnp.dot(oh, jnp.ones((BN, DQ), jnp.float32),
                           preferred_element_type=jnp.float32)

    @pl.when(i == NB - 1)
    def _():
        gc = gc_acc[:, 0:1]
        num = (pq_acc[...]
               + jnp.dot(ph1_ref[...], wr2p_ref[...],
                         preferred_element_type=jnp.float32)
               + gc * bl2p_ref[...])
        hg = num / jnp.maximum(gc, 1.0)
        lanes = lax.broadcasted_iota(jnp.int32, (G, DQ), 1)
        msk = lanes < DOUT
        mx = jnp.max(jnp.where(msk, hg, -1e30), axis=1, keepdims=True)
        sh = hg - mx
        e = jnp.where(msk, jnp.exp(sh), 0.0)
        se = jnp.sum(e, axis=1, keepdims=True)
        hg_ref[...] = hg
        lsm_ref[...] = sh - jnp.log(se)


def _tc2(q, cinv, bf, ph1, wr2p, bl2p):
    return pl.pallas_call(
        _tc2_body,
        grid=(NB,),
        in_specs=[
            pl.BlockSpec((NC, BN, DQ), lambda i: (0, i, 0)),
            pl.BlockSpec((BN, DQ), lambda i: (i, 0)),
            pl.BlockSpec((1, 1, BN), lambda i: (i, 0, 0)),
            pl.BlockSpec((G, DH), lambda i: (0, 0)),
            pl.BlockSpec((DH, DQ), lambda i: (0, 0)),
            pl.BlockSpec((1, DQ), lambda i: (0, 0)),
        ],
        out_specs=[
            pl.BlockSpec((G, DQ), lambda i: (0, 0)),
            pl.BlockSpec((G, DQ), lambda i: (0, 0)),
        ],
        out_shape=[
            jax.ShapeDtypeStruct((G, DQ), jnp.float32),
            jax.ShapeDtypeStruct((G, DQ), jnp.float32),
        ],
        scratch_shapes=[
            pltpu.VMEM((G, DQ), jnp.float32),
            pltpu.VMEM((G, DQ), jnp.float32),
        ],
    )(q, cinv, bf, ph1, wr2p, bl2p)


def kernel(x, edge_index, batch, W_l1, b_l1, W_r1, W_l2, b_l2, W_r2):
    f32 = jnp.float32
    src1 = edge_index[0].reshape(NW, EPW // KC1, KC1)
    dst1 = edge_index[1].reshape(NW, EPW // KC1, KC1)

    part1, cnt1 = _make_seg_sum1(KC1)(
        x, src1, dst1, jnp.zeros((RPT, DIN), f32), jnp.zeros((RPT, DCNT), f32),
        jnp.ones((KC1, DCNT), f32))

    bf = batch.astype(f32).reshape(NB, 1, BN)
    wl2p = jnp.pad(W_l2, ((0, 0), (0, DQ - DOUT)))
    p, cinv16, ph1 = _tc1(part1, cnt1, x, bf, W_l1, b_l1.reshape(1, DH),
                          W_r1, wl2p)

    srcq = edge_index[0].reshape(NW, EPW // KCQ, KCQ)
    dstq = edge_index[1].reshape(NW, EPW // KCQ, KCQ)
    part2 = _make_seg_sum(DQ, KCQ)(p, srcq, dstq, jnp.zeros((RPT, DQ), f32))

    wr2p = jnp.pad(W_r2, ((0, 0), (0, DQ - DOUT)))
    bl2p = jnp.pad(b_l2, (0, DQ - DOUT)).reshape(1, DQ)
    hg, lsm = _tc2(part2, cinv16, bf, ph1, wr2p, bl2p)
    return hg[:, :DOUT], lsm[:, :DOUT]

# --- scband reference (transcript-rebuilt; emitter-appended) ---
"""Pipeline reference for scband-graph-sage-5617817223572 (READ-ONLY COPY).

The authoritative reference and input builder live on the scoring server;
editing this copy changes nothing except your own understanding.
"""

import jax, jax.numpy as jnp
import numpy as np

N = 10000
E = 320000
DIN = 128
DH = 128
DOUT = 2
G = 64


def setup_inputs(seed: int = 0) -> dict:
    key = jax.random.key(seed)
    ks = jax.random.split(key, 10)
    x = jax.random.normal(ks[0], (N, DIN), dtype=jnp.float32)
    edge_index = jax.random.randint(ks[1], (2, E), 0, N, dtype=jnp.int32)
    batch = jnp.sort(jax.random.randint(ks[2], (N,), 0, G, dtype=jnp.int32))
    # SAGEConv layer 1 params (PyG SAGEConv: lin_l applied to mean-aggregated neighbors (has bias), lin_r applied to root)
    W_l1 = jax.random.normal(ks[3], (DIN, DH), dtype=jnp.float32) * 0.05
    b_l1 = jnp.zeros((DH,), dtype=jnp.float32)
    W_r1 = jax.random.normal(ks[4], (DIN, DH), dtype=jnp.float32) * 0.05
    # SAGEConv layer 2 params
    W_l2 = jax.random.normal(ks[5], (DH, DOUT), dtype=jnp.float32) * 0.05
    b_l2 = jnp.zeros((DOUT,), dtype=jnp.float32)
    W_r2 = jax.random.normal(ks[6], (DH, DOUT), dtype=jnp.float32) * 0.05
    return {"x": x, "edge_index": edge_index, "batch": batch,
            "W_l1": W_l1, "b_l1": b_l1, "W_r1": W_r1,
            "W_l2": W_l2, "b_l2": b_l2, "W_r2": W_r2}


def _sage_conv(h, edge_index, Wl, bl, Wr, n_nodes):
    src = edge_index[0]
    dst = edge_index[1]
    msgs = jnp.take(h, src, axis=0)                      # gather x_j
    agg = jax.ops.segment_sum(msgs, dst, num_segments=n_nodes)
    cnt = jax.ops.segment_sum(jnp.ones((msgs.shape[0],), dtype=h.dtype), dst, num_segments=n_nodes)
    mean = agg / jnp.clip(cnt, 1.0)[:, None]             # mean aggregation
    return mean @ Wl + bl + h @ Wr


def reference(x, edge_index, batch, W_l1, b_l1, W_r1, W_l2, b_l2, W_r2):
    h = _sage_conv(x, edge_index, W_l1, b_l1, W_r1, N)
    h = jax.nn.relu(h)
    # dropout is identity in eval mode (training=False)
    h = _sage_conv(h, edge_index, W_l2, b_l2, W_r2, N)
    # global_mean_pool over the `batch` assignment vector
    gsum = jax.ops.segment_sum(h, batch, num_segments=G)
    gcnt = jax.ops.segment_sum(jnp.ones((N,), dtype=h.dtype), batch, num_segments=G)
    h_graph = gsum / jnp.clip(gcnt, 1.0)[:, None]
    return (h_graph, jax.nn.log_softmax(h_graph, axis=1))

if __name__ == "__main__":
    import jax
    _d = setup_inputs()
    print(jax.jit(kernel)(*tuple(_d.values())))

</pallas_src>

<mosaic_0001>
#map = affine_map<(d0, d1) -> (0, 0)>
#map1 = affine_map<(d0, d1) -> (0, 0, 0)>
module attributes {stable_mosaic.version = 14 : i64} {
  func.func @body(%arg0: i32, %arg1: i32, %arg2: memref<10000x128xf32, #tpu.memory_space<hbm>>, %arg3: memref<32x200x50xi32, #tpu.memory_space<hbm>>, %arg4: memref<32x200x50xi32, #tpu.memory_space<hbm>>, %arg5: memref<625x128xf32, #tpu.memory_space<hbm>>, %arg6: memref<625x16xf32, #tpu.memory_space<hbm>>, %arg7: memref<50x16xf32, #tpu.memory_space<hbm>>, %arg8: memref<2x10000x128xf32, #tpu.memory_space<hbm>>, %arg9: memref<2x10000x16xf32, #tpu.memory_space<hbm>>, %arg10: memref<200x50xi32, #tpu.memory_space<vmem>>, %arg11: memref<200x50xi32, #tpu.memory_space<vmem>>, %arg12: memref<50x128xf32, #tpu.memory_space<vmem>>, %arg13: memref<50x128xf32, #tpu.memory_space<vmem>>, %arg14: memref<50x16xf32, #tpu.memory_space<vmem>>, %arg15: memref<10000x128xf32, #tpu.memory_space<vmem_shared>>, %arg16: memref<10000x16xf32, #tpu.memory_space<vmem_shared>>, %arg17: memref<!tpu.dma_semaphore, #tpu.memory_space<semaphore_mem>>, %arg18: memref<!tpu.dma_semaphore, #tpu.memory_space<semaphore_mem>>) attributes {dimension_semantics = [#tpu.dimension_semantics<core_parallel>, #tpu.dimension_semantics<subcore_parallel>], iteration_bounds = array<i64: 2, 16>, scalar_prefetch = 0 : i64, scratch_operands = 9 : i64, tpu.core_type = #tpu.core_type<sc_vector_subcore>, window_params = [{transform_indices = #map}, {transform_indices = #map1}, {transform_indices = #map1}, {transform_indices = #map}, {transform_indices = #map}, {transform_indices = #map}, {transform_indices = #map1}, {transform_indices = #map1}]} {
    %mul3A = arith.constant 16 : i32
    %mul3A_0 = arith.muli %arg0, %mul3A : i32
    %add3A = arith.addi %mul3A_0, %arg1 : i32
    "tpu.region"() ({
      %run_scoped3A = tpu.sem_alloc : memref<!tpu.dma_semaphore, #tpu.memory_space<semaphore_mem>>
      %dma_start3A_24 = arith.constant 0 : i32
      %dma_start3A_25 = arith.constant 0 : i32
      %dma_start3A_26 = tpu.memref_slice %arg3[%add3A, %dma_start3A_24, %dma_start3A_25] : memref<32x200x50xi32, #tpu.memory_space<hbm>> -> memref<1x200x50xi32, #tpu.memory_space<hbm>>
      %dma_start3A_27 = tpu.memref_squeeze %dma_start3A_26 : memref<1x200x50xi32, #tpu.memory_space<hbm>> -> memref<200x50xi32, #tpu.memory_space<hbm>>
      %dma_start3A_28 = arith.constant 0 : i32
      %dma_start3A_29 = arith.constant 0 : i32
      %dma_start3A_30 = tpu.memref_slice %arg3[%add3A, %dma_start3A_28, %dma_start3A_29] : memref<32x200x50xi32, #tpu.memory_space<hbm>> -> memref<1x200x50xi32, #tpu.memory_space<hbm>>
      %dma_start3A_31 = tpu.memref_squeeze %dma_start3A_30 : memref<1x200x50xi32, #tpu.memory_space<hbm>> -> memref<200x50xi32, #tpu.memory_space<hbm>>
      tpu.enqueue_dma source(%dma_start3A_31 : memref<200x50xi32, #tpu.memory_space<hbm>>) target(%arg10 : memref<200x50xi32, #tpu.memory_space<vmem>>) target_semaphore(%run_scoped3A : memref<!tpu.dma_semaphore, #tpu.memory_space<semaphore_mem>>)
      %dma_wait3A = arith.constant 0 : i32
      %dma_wait3A_32 = arith.constant 0 : i32
      %dma_wait3A_33 = tpu.memref_slice %arg3[%add3A, %dma_wait3A, %dma_wait3A_32] : memref<32x200x50xi32, #tpu.memory_space<hbm>> -> memref<1x200x50xi32, #tpu.memory_space<hbm>>
      %dma_wait3A_34 = tpu.memref_squeeze %dma_wait3A_33 : memref<1x200x50xi32, #tpu.memory_space<hbm>> -> memref<200x50xi32, #tpu.memory_space<hbm>>
      %dma_wait3A_35 = arith.constant 0 : i32
      %dma_wait3A_36 = arith.constant 0 : i32
      %dma_wait3A_37 = tpu.memref_slice %arg3[%add3A, %dma_wait3A_35, %dma_wait3A_36] : memref<32x200x50xi32, #tpu.memory_space<hbm>> -> memref<1x200x50xi32, #tpu.memory_space<hbm>>
      %dma_wait3A_38 = tpu.memref_squeeze %dma_wait3A_37 : memref<1x200x50xi32, #tpu.memory_space<hbm>> -> memref<200x50xi32, #tpu.memory_space<hbm>>
      tpu.wait_dma2 semaphore(%run_scoped3A : memref<!tpu.dma_semaphore, #tpu.memory_space<semaphore_mem>>) src(%dma_wait3A_38 : memref<200x50xi32, #tpu.memory_space<hbm>>) dst(%arg10 : memref<200x50xi32, #tpu.memory_space<vmem>>)
      tpu.yield
    }) : () -> ()
    "tpu.region"() ({
      %run_scoped3A = tpu.sem_alloc : memref<!tpu.dma_semaphore, #tpu.memory_space<semaphore_mem>>
      %dma_start3A_24 = arith.constant 0 : i32
      %dma_start3A_25 = arith.constant 0 : i32
      %dma_start3A_26 = tpu.memref_slice %arg4[%add3A, %dma_start3A_24, %dma_start3A_25] : memref<32x200x50xi32, #tpu.memory_space<hbm>> -> memref<1x200x50xi32, #tpu.memory_space<hbm>>
      %dma_start3A_27 = tpu.memref_squeeze %dma_start3A_26 : memref<1x200x50xi32, #tpu.memory_space<hbm>> -> memref<200x50xi32, #tpu.memory_space<hbm>>
      %dma_start3A_28 = arith.constant 0 : i32
      %dma_start3A_29 = arith.constant 0 : i32
      %dma_start3A_30 = tpu.memref_slice %arg4[%add3A, %dma_start3A_28, %dma_start3A_29] : memref<32x200x50xi32, #tpu.memory_space<hbm>> -> memref<1x200x50xi32, #tpu.memory_space<hbm>>
      %dma_start3A_31 = tpu.memref_squeeze %dma_start3A_30 : memref<1x200x50xi32, #tpu.memory_space<hbm>> -> memref<200x50xi32, #tpu.memory_space<hbm>>
      tpu.enqueue_dma source(%dma_start3A_31 : memref<200x50xi32, #tpu.memory_space<hbm>>) target(%arg11 : memref<200x50xi32, #tpu.memory_space<vmem>>) target_semaphore(%run_scoped3A : memref<!tpu.dma_semaphore, #tpu.memory_space<semaphore_mem>>)
      %dma_wait3A = arith.constant 0 : i32
      %dma_wait3A_32 = arith.constant 0 : i32
      %dma_wait3A_33 = tpu.memref_slice %arg4[%add3A, %dma_wait3A, %dma_wait3A_32] : memref<32x200x50xi32, #tpu.memory_space<hbm>> -> memref<1x200x50xi32, #tpu.memory_space<hbm>>
      %dma_wait3A_34 = tpu.memref_squeeze %dma_wait3A_33 : memref<1x200x50xi32, #tpu.memory_space<hbm>> -> memref<200x50xi32, #tpu.memory_space<hbm>>
      %dma_wait3A_35 = arith.constant 0 : i32
      %dma_wait3A_36 = arith.constant 0 : i32
      %dma_wait3A_37 = tpu.memref_slice %arg4[%add3A, %dma_wait3A_35, %dma_wait3A_36] : memref<32x200x50xi32, #tpu.memory_space<hbm>> -> memref<1x200x50xi32, #tpu.memory_space<hbm>>
      %dma_wait3A_38 = tpu.memref_squeeze %dma_wait3A_37 : memref<1x200x50xi32, #tpu.memory_space<hbm>> -> memref<200x50xi32, #tpu.memory_space<hbm>>
      tpu.wait_dma2 semaphore(%run_scoped3A : memref<!tpu.dma_semaphore, #tpu.memory_space<semaphore_mem>>) src(%dma_wait3A_38 : memref<200x50xi32, #tpu.memory_space<hbm>>) dst(%arg11 : memref<200x50xi32, #tpu.memory_space<vmem>>)
      tpu.yield
    }) : () -> ()
    "tpu.region"() ({
      %run_scoped3A = tpu.sem_alloc : memref<!tpu.dma_semaphore, #tpu.memory_space<semaphore_mem>>
      tpu.enqueue_dma source(%arg7 : memref<50x16xf32, #tpu.memory_space<hbm>>) target(%arg14 : memref<50x16xf32, #tpu.memory_space<vmem>>) target_semaphore(%run_scoped3A : memref<!tpu.dma_semaphore, #tpu.memory_space<semaphore_mem>>)
      tpu.wait_dma2 semaphore(%run_scoped3A : memref<!tpu.dma_semaphore, #tpu.memory_space<semaphore_mem>>) src(%arg7 : memref<50x16xf32, #tpu.memory_space<hbm>>) dst(%arg14 : memref<50x16xf32, #tpu.memory_space<vmem>>)
      tpu.yield
    }) : () -> ()
    %mul3A_1 = arith.constant 625 : i32
    %mul3A_2 = arith.muli %arg1, %mul3A_1 : i32
    "tpu.region"() ({
      %run_scoped3A = tpu.sem_alloc : memref<!tpu.dma_semaphore, #tpu.memory_space<semaphore_mem>>
      %dma_start3A_24 = arith.constant 0 : i32
      %dma_start3A_25 = tpu.memref_slice %arg15[%mul3A_2, %dma_start3A_24] : memref<10000x128xf32, #tpu.memory_space<vmem_shared>> -> memref<625x128xf32, #tpu.memory_space<vmem_shared>>
      tpu.enqueue_dma source(%arg5 : memref<625x128xf32, #tpu.memory_space<hbm>>) target(%dma_start3A_25 : memref<625x128xf32, #tpu.memory_space<vmem_shared>>) target_semaphore(%run_scoped3A : memref<!tpu.dma_semaphore, #tpu.memory_space<semaphore_mem>>)
      %dma_wait3A = arith.constant 0 : i32
      %dma_wait3A_26 = tpu.memref_slice %arg15[%mul3A_2, %dma_wait3A] : memref<10000x128xf32, #tpu.memory_space<vmem_shared>> -> memref<625x128xf32, #tpu.memory_space<vmem_shared>>
      tpu.wait_dma2 semaphore(%run_scoped3A : memref<!tpu.dma_semaphore, #tpu.memory_space<semaphore_mem>>) src(%arg5 : memref<625x128xf32, #tpu.memory_space<hbm>>) dst(%dma_wait3A_26 : memref<625x128xf32, #tpu.memory_space<vmem_shared>>)
      tpu.yield
    }) : () -> ()
    %mul3A_3 = arith.constant 625 : i32
    %mul3A_4 = arith.muli %arg1, %mul3A_3 : i32
    "tpu.region"() ({
      %run_scoped3A = tpu.sem_alloc : memref<!tpu.dma_semaphore, #tpu.memory_space<semaphore_mem>>
      %dma_start3A_24 = arith.constant 0 : i32
      %dma_start3A_25 = tpu.memref_slice %arg16[%mul3A_4, %dma_start3A_24] : memref<10000x16xf32, #tpu.memory_space<vmem_shared>> -> memref<625x16xf32, #tpu.memory_space<vmem_shared>>
      tpu.enqueue_dma source(%arg6 : memref<625x16xf32, #tpu.memory_space<hbm>>) target(%dma_start3A_25 : memref<625x16xf32, #tpu.memory_space<vmem_shared>>) target_semaphore(%run_scoped3A : memref<!tpu.dma_semaphore, #tpu.memory_space<semaphore_mem>>)
      %dma_wait3A = arith.constant 0 : i32
      %dma_wait3A_26 = tpu.memref_slice %arg16[%mul3A_4, %dma_wait3A] : memref<10000x16xf32, #tpu.memory_space<vmem_shared>> -> memref<625x16xf32, #tpu.memory_space<vmem_shared>>
      tpu.wait_dma2 semaphore(%run_scoped3A : memref<!tpu.dma_semaphore, #tpu.memory_space<semaphore_mem>>) src(%arg6 : memref<625x16xf32, #tpu.memory_space<hbm>>) dst(%dma_wait3A_26 : memref<625x16xf32, #tpu.memory_space<vmem_shared>>)
      tpu.yield
    }) : () -> ()
    %barrier3A = arith.constant 0 : index
    tpu.barrier barrier_id(%barrier3A)
    %dma_start3A = arith.constant 0 : i32
    %dma_start3A_5 = arith.constant 0 : i32
    %dma_start3A_6 = tpu.memref_slice %arg10[%dma_start3A, %dma_start3A_5] : memref<200x50xi32, #tpu.memory_space<vmem>> -> memref<1x50xi32, #tpu.memory_space<vmem>>
    %dma_start3A_7 = tpu.memref_squeeze %dma_start3A_6 : memref<1x50xi32, #tpu.memory_space<vmem>> -> memref<50xi32, #tpu.memory_space<vmem>>
    %dma_start3A_8 = arith.constant 0 : i32
    %dma_start3A_9 = arith.constant 0 : i32
    %dma_start3A_10 = tpu.memref_slice %arg2[%dma_start3A_8, %dma_start3A_9] : memref<10000x128xf32, #tpu.memory_space<hbm>> -> memref<10000x128xf32, #tpu.memory_space<hbm>>
    tpu.enqueue_indirect_dma source(%dma_start3A_10 : memref<10000x128xf32, #tpu.memory_space<hbm>>) target(%arg12 : memref<50x128xf32, #tpu.memory_space<vmem>>) offsets(%dma_start3A_7 : memref<50xi32, #tpu.memory_space<vmem>>) semaphore(%arg17 : memref<!tpu.dma_semaphore, #tpu.memory_space<semaphore_mem>>)
    %scan3A = arith.constant 0 : i32
    %scan3A_11 = arith.constant 100 : i32
    %scan3A_12 = arith.addi %scan3A, %scan3A_11 : i32
    %scan3A_13 = arith.constant 1 : i32
    scf.for %scan3A_24 = %scan3A to %scan3A_12 step %scan3A_13  : i32 {
      %mul3A_25 = arith.constant 2 : i32
      %mul3A_26 = arith.muli %scan3A_24, %mul3A_25 : i32
      %add3A_27 = arith.constant 0 : i32
      %add3A_28 = arith.addi %add3A_27, %mul3A_26 : i32
      %add3A_29 = arith.constant 1 : i32
      %add3A_30 = arith.addi %add3A_28, %add3A_29 : i32
      %dma_start3A_31 = arith.constant 0 : i32
      %dma_start3A_32 = tpu.memref_slice %arg10[%add3A_30, %dma_start3A_31] : memref<200x50xi32, #tpu.memory_space<vmem>> -> memref<1x50xi32, #tpu.memory_space<vmem>>
      %dma_start3A_33 = tpu.memref_squeeze %dma_start3A_32 : memref<1x50xi32, #tpu.memory_space<vmem>> -> memref<50xi32, #tpu.memory_space<vmem>>
      %dma_start3A_34 = arith.constant 0 : i32
      %dma_start3A_35 = arith.constant 0 : i32
      %dma_start3A_36 = tpu.memref_slice %arg2[%dma_start3A_34, %dma_start3A_35] : memref<10000x128xf32, #tpu.memory_space<hbm>> -> memref<10000x128xf32, #tpu.memory_space<hbm>>
      tpu.enqueue_indirect_dma source(%dma_start3A_36 : memref<10000x128xf32, #tpu.memory_space<hbm>>) target(%arg13 : memref<50x128xf32, #tpu.memory_space<vmem>>) offsets(%dma_start3A_33 : memref<50xi32, #tpu.memory_space<vmem>>) semaphore(%arg18 : memref<!tpu.dma_semaphore, #tpu.memory_space<semaphore_mem>>)
      %dma_wait3A = arith.constant 0 : i32
      %dma_wait3A_37 = arith.constant 0 : i32
      %dma_wait3A_38 = tpu.memref_slice %arg2[%dma_wait3A, %dma_wait3A_37] : memref<10000x128xf32, #tpu.memory_space<hbm>> -> memref<50x128xf32, #tpu.memory_space<hbm>>
      %dma_wait3A_39 = arith.constant 0 : i32
      %dma_wait3A_40 = arith.constant 0 : i32
      %dma_wait3A_41 = tpu.memref_slice %arg2[%dma_wait3A_39, %dma_wait3A_40] : memref<10000x128xf32, #tpu.memory_space<hbm>> -> memref<50x128xf32, #tpu.memory_space<hbm>>
      tpu.wait_dma2 semaphore(%arg17 : memref<!tpu.dma_semaphore, #tpu.memory_space<semaphore_mem>>) src(%dma_wait3A_41 : memref<50x128xf32, #tpu.memory_space<hbm>>) dst(%arg12 : memref<50x128xf32, #tpu.memory_space<vmem>>)
      "tpu.region"() ({
        %run_scoped3A = tpu.sem_alloc : memref<!tpu.dma_semaphore, #tpu.memory_space<semaphore_mem>>
        %dma_start3A_56 = arith.constant 0 : i32
        %dma_start3A_57 = tpu.memref_slice %arg11[%add3A_28, %dma_start3A_56] : memref<200x50xi32, #tpu.memory_space<vmem>> -> memref<1x50xi32, #tpu.memory_space<vmem>>
        %dma_start3A_58 = tpu.memref_squeeze %dma_start3A_57 : memref<1x50xi32, #tpu.memory_space<vmem>> -> memref<50xi32, #tpu.memory_space<vmem>>
        %dma_start3A_59 = arith.constant 0 : i32
        %dma_start3A_60 = arith.constant 0 : i32
        %dma_start3A_61 = tpu.memref_slice %arg15[%dma_start3A_59, %dma_start3A_60] : memref<10000x128xf32, #tpu.memory_space<vmem_shared>> -> memref<10000x128xf32, #tpu.memory_space<vmem_shared>>
        tpu.enqueue_indirect_dma source(%arg12 : memref<50x128xf32, #tpu.memory_space<vmem>>) target(%dma_start3A_61 : memref<10000x128xf32, #tpu.memory_space<vmem_shared>>) offsets(%dma_start3A_58 : memref<50xi32, #tpu.memory_space<vmem>>) semaphore(%run_scoped3A : memref<!tpu.dma_semaphore, #tpu.memory_space<semaphore_mem>>) {add = true}
        %dma_wait3A_62 = arith.constant 0 : i32
        %dma_wait3A_63 = tpu.memref_slice %arg11[%add3A_28, %dma_wait3A_62] : memref<200x50xi32, #tpu.memory_space<vmem>> -> memref<1x50xi32, #tpu.memory_space<vmem>>
        %dma_wait3A_64 = tpu.memref_squeeze %dma_wait3A_63 : memref<1x50xi32, #tpu.memory_space<vmem>> -> memref<50xi32, #tpu.memory_space<vmem>>
        %dma_wait3A_65 = arith.constant 0 : i32
        %dma_wait3A_66 = arith.constant 0 : i32
        %dma_wait3A_67 = tpu.memref_slice %arg15[%dma_wait3A_65, %dma_wait3A_66] : memref<10000x128xf32, #tpu.memory_space<vmem_shared>> -> memref<10000x128xf32, #tpu.memory_space<vmem_shared>>
        tpu.wait_indirect_dma semaphore(%run_scoped3A : memref<!tpu.dma_semaphore, #tpu.memory_space<semaphore_mem>>) src(%arg12 : memref<50x128xf32, #tpu.memory_space<vmem>>) dst(%dma_wait3A_67 : memref<10000x128xf32, #tpu.memory_space<vmem_shared>>)
        tpu.yield
      }) : () -> ()
      "tpu.region"() ({
        %run_scoped3A = tpu.sem_alloc : memref<!tpu.dma_semaphore, #tpu.memory_space<semaphore_mem>>
        %dma_start3A_56 = arith.constant 0 : i32
        %dma_start3A_57 = tpu.memref_slice %arg11[%add3A_28, %dma_start3A_56] : memref<200x50xi32, #tpu.memory_space<vmem>> -> memref<1x50xi32, #tpu.memory_space<vmem>>
        %dma_start3A_58 = tpu.memref_squeeze %dma_start3A_57 : memref<1x50xi32, #tpu.memory_space<vmem>> -> memref<50xi32, #tpu.memory_space<vmem>>
        %dma_start3A_59 = arith.constant 0 : i32
        %dma_start3A_60 = arith.constant 0 : i32
        %dma_start3A_61 = tpu.memref_slice %arg16[%dma_start3A_59, %dma_start3A_60] : memref<10000x16xf32, #tpu.memory_space<vmem_shared>> -> memref<10000x16xf32, #tpu.memory_space<vmem_shared>>
        tpu.enqueue_indirect_dma source(%arg14 : memref<50x16xf32, #tpu.memory_space<vmem>>) target(%dma_start3A_61 : memref<10000x16xf32, #tpu.memory_space<vmem_shared>>) offsets(%dma_start3A_58 : memref<50xi32, #tpu.memory_space<vmem>>) semaphore(%run_scoped3A : memref<!tpu.dma_semaphore, #tpu.memory_space<semaphore_mem>>) {add = true}
        %dma_wait3A_62 = arith.constant 0 : i32
        %dma_wait3A_63 = tpu.memref_slice %arg11[%add3A_28, %dma_wait3A_62] : memref<200x50xi32, #tpu.memory_space<vmem>> -> memref<1x50xi32, #tpu.memory_space<vmem>>
        %dma_wait3A_64 = tpu.memref_squeeze %dma_wait3A_63 : memref<1x50xi32, #tpu.memory_space<vmem>> -> memref<50xi32, #tpu.memory_space<vmem>>
        %dma_wait3A_65 = arith.constant 0 : i32
        %dma_wait3A_66 = arith.constant 0 : i32
        %dma_wait3A_67 = tpu.memref_slice %arg16[%dma_wait3A_65, %dma_wait3A_66] : memref<10000x16xf32, #tpu.memory_space<vmem_shared>> -> memref<10000x16xf32, #tpu.memory_space<vmem_shared>>
        tpu.wait_indirect_dma semaphore(%run_scoped3A : memref<!tpu.dma_semaphore, #tpu.memory_space<semaphore_mem>>) src(%arg14 : memref<50x16xf32, #tpu.memory_space<vmem>>) dst(%dma_wait3A_67 : memref<10000x16xf32, #tpu.memory_space<vmem_shared>>)
        tpu.yield
      }) : () -> ()
      %add3A_42 = arith.constant 2 : i32
      %add3A_43 = arith.addi %add3A_28, %add3A_42 : i32
      %lt3A = arith.constant 200 : i32
      %lt3A_44 = arith.cmpi slt, %add3A_43, %lt3A : i32
      %convert_element_type3A = arith.extui %lt3A_44 : i1 to i32
      %cond3A = arith.constant 0 : i32
      %cond3A_45 = arith.cmpi ne, %convert_element_type3A, %cond3A : i32
      scf.if %cond3A_45 {
        %add3A_56 = arith.constant 2 : i32
        %add3A_57 = arith.addi %add3A_28, %add3A_56 : i32
        %dma_start3A_58 = arith.constant 0 : i32
        %dma_start3A_59 = tpu.memref_slice %arg10[%add3A_57, %dma_start3A_58] : memref<200x50xi32, #tpu.memory_space<vmem>> -> memref<1x50xi32, #tpu.memory_space<vmem>>
        %dma_start3A_60 = tpu.memref_squeeze %dma_start3A_59 : memref<1x50xi32, #tpu.memory_space<vmem>> -> memref<50xi32, #tpu.memory_space<vmem>>
        %dma_start3A_61 = arith.constant 0 : i32
        %dma_start3A_62 = arith.constant 0 : i32
        %dma_start3A_63 = tpu.memref_slice %arg2[%dma_start3A_61, %dma_start3A_62] : memref<10000x128xf32, #tpu.memory_space<hbm>> -> memref<10000x128xf32, #tpu.memory_space<hbm>>
        tpu.enqueue_indirect_dma source(%dma_start3A_63 : memref<10000x128xf32, #tpu.memory_space<hbm>>) target(%arg12 : memref<50x128xf32, #tpu.memory_space<vmem>>) offsets(%dma_start3A_60 : memref<50xi32, #tpu.memory_space<vmem>>) semaphore(%arg17 : memref<!tpu.dma_semaphore, #tpu.memory_space<semaphore_mem>>)
      } else {
      }
      %dma_wait3A_46 = arith.constant 0 : i32
      %dma_wait3A_47 = arith.constant 0 : i32
      %dma_wait3A_48 = tpu.memref_slice %arg2[%dma_wait3A_46, %dma_wait3A_47] : memref<10000x128xf32, #tpu.memory_space<hbm>> -> memref<50x128xf32, #tpu.memory_space<hbm>>
      %dma_wait3A_49 = arith.constant 0 : i32
      %dma_wait3A_50 = arith.constant 0 : i32
      %dma_wait3A_51 = tpu.memref_slice %arg2[%dma_wait3A_49, %dma_wait3A_50] : memref<10000x128xf32, #tpu.memory_space<hbm>> -> memref<50x128xf32, #tpu.memory_space<hbm>>
      tpu.wait_dma2 semaphore(%arg18 : memref<!tpu.dma_semaphore, #tpu.memory_space<semaphore_mem>>) src(%dma_wait3A_51 : memref<50x128xf32, #tpu.memory_space<hbm>>) dst(%arg13 : memref<50x128xf32, #tpu.memory_space<vmem>>)
      %add3A_52 = arith.constant 1 : i32
      %add3A_53 = arith.addi %add3A_28, %add3A_52 : i32
      "tpu.region"() ({
        %run_scoped3A = tpu.sem_alloc : memref<!tpu.dma_semaphore, #tpu.memory_space<semaphore_mem>>
        %dma_start3A_56 = arith.constant 0 : i32
        %dma_start3A_57 = tpu.memref_slice %arg11[%add3A_53, %dma_start3A_56] : memref<200x50xi32, #tpu.memory_space<vmem>> -> memref<1x50xi32, #tpu.memory_space<vmem>>
        %dma_start3A_58 = tpu.memref_squeeze %dma_start3A_57 : memref<1x50xi32, #tpu.memory_space<vmem>> -> memref<50xi32, #tpu.memory_space<vmem>>
        %dma_start3A_59 = arith.constant 0 : i32
        %dma_start3A_60 = arith.constant 0 : i32
        %dma_start3A_61 = tpu.memref_slice %arg15[%dma_start3A_59, %dma_start3A_60] : memref<10000x128xf32, #tpu.memory_space<vmem_shared>> -> memref<10000x128xf32, #tpu.memory_space<vmem_shared>>
        tpu.enqueue_indirect_dma source(%arg13 : memref<50x128xf32, #tpu.memory_space<vmem>>) target(%dma_start3A_61 : memref<10000x128xf32, #tpu.memory_space<vmem_shared>>) offsets(%dma_start3A_58 : memref<50xi32, #tpu.memory_space<vmem>>) semaphore(%run_scoped3A : memref<!tpu.dma_semaphore, #tpu.memory_space<semaphore_mem>>) {add = true}
        %dma_wait3A_62 = arith.constant 0 : i32
        %dma_wait3A_63 = tpu.memref_slice %arg11[%add3A_53, %dma_wait3A_62] : memref<200x50xi32, #tpu.memory_space<vmem>> -> memref<1x50xi32, #tpu.memory_space<vmem>>
        %dma_wait3A_64 = tpu.memref_squeeze %dma_wait3A_63 : memref<1x50xi32, #tpu.memory_space<vmem>> -> memref<50xi32, #tpu.memory_space<vmem>>
        %dma_wait3A_65 = arith.constant 0 : i32
        %dma_wait3A_66 = arith.constant 0 : i32
        %dma_wait3A_67 = tpu.memref_slice %arg15[%dma_wait3A_65, %dma_wait3A_66] : memref<10000x128xf32, #tpu.memory_space<vmem_shared>> -> memref<10000x128xf32, #tpu.memory_space<vmem_shared>>
        tpu.wait_indirect_dma semaphore(%run_scoped3A : memref<!tpu.dma_semaphore, #tpu.memory_space<semaphore_mem>>) src(%arg13 : memref<50x128xf32, #tpu.memory_space<vmem>>) dst(%dma_wait3A_67 : memref<10000x128xf32, #tpu.memory_space<vmem_shared>>)
        tpu.yield
      }) : () -> ()
      %add3A_54 = arith.constant 1 : i32
      %add3A_55 = arith.addi %add3A_28, %add3A_54 : i32
      "tpu.region"() ({
        %run_scoped3A = tpu.sem_alloc : memref<!tpu.dma_semaphore, #tpu.memory_space<semaphore_mem>>
        %dma_start3A_56 = arith.constant 0 : i32
        %dma_start3A_57 = tpu.memref_slice %arg11[%add3A_55, %dma_start3A_56] : memref<200x50xi32, #tpu.memory_space<vmem>> -> memref<1x50xi32, #tpu.memory_space<vmem>>
        %dma_start3A_58 = tpu.memref_squeeze %dma_start3A_57 : memref<1x50xi32, #tpu.memory_space<vmem>> -> memref<50xi32, #tpu.memory_space<vmem>>
        %dma_start3A_59 = arith.constant 0 : i32
        %dma_start3A_60 = arith.constant 0 : i32
        %dma_start3A_61 = tpu.memref_slice %arg16[%dma_start3A_59, %dma_start3A_60] : memref<10000x16xf32, #tpu.memory_space<vmem_shared>> -> memref<10000x16xf32, #tpu.memory_space<vmem_shared>>
        tpu.enqueue_indirect_dma source(%arg14 : memref<50x16xf32, #tpu.memory_space<vmem>>) target(%dma_start3A_61 : memref<10000x16xf32, #tpu.memory_space<vmem_shared>>) offsets(%dma_start3A_58 : memref<50xi32, #tpu.memory_space<vmem>>) semaphore(%run_scoped3A : memref<!tpu.dma_semaphore, #tpu.memory_space<semaphore_mem>>) {add = true}
        %dma_wait3A_62 = arith.constant 0 : i32
        %dma_wait3A_63 = tpu.memref_slice %arg11[%add3A_55, %dma_wait3A_62] : memref<200x50xi32, #tpu.memory_space<vmem>> -> memref<1x50xi32, #tpu.memory_space<vmem>>
        %dma_wait3A_64 = tpu.memref_squeeze %dma_wait3A_63 : memref<1x50xi32, #tpu.memory_space<vmem>> -> memref<50xi32, #tpu.memory_space<vmem>>
        %dma_wait3A_65 = arith.constant 0 : i32
        %dma_wait3A_66 = arith.constant 0 : i32
        %dma_wait3A_67 = tpu.memref_slice %arg16[%dma_wait3A_65, %dma_wait3A_66] : memref<10000x16xf32, #tpu.memory_space<vmem_shared>> -> memref<10000x16xf32, #tpu.memory_space<vmem_shared>>
        tpu.wait_indirect_dma semaphore(%run_scoped3A : memref<!tpu.dma_semaphore, #tpu.memory_space<semaphore_mem>>) src(%arg14 : memref<50x16xf32, #tpu.memory_space<vmem>>) dst(%dma_wait3A_67 : memref<10000x16xf32, #tpu.memory_space<vmem_shared>>)
        tpu.yield
      }) : () -> ()
    }
    %scan3A_14 = arith.constant 100 : i32
    %barrier3A_15 = arith.constant 0 : index
    tpu.barrier barrier_id(%barrier3A_15)
    %mul3A_16 = arith.constant 625 : i32
    %mul3A_17 = arith.muli %arg1, %mul3A_16 : i32
    %mul3A_18 = arith.constant 625 : i32
    %mul3A_19 = arith.muli %arg1, %mul3A_18 : i32
    "tpu.region"() ({
      %run_scoped3A = tpu.sem_alloc : memref<!tpu.dma_semaphore, #tpu.memory_space<semaphore_mem>>
      %dma_start3A_24 = arith.constant 0 : i32
      %dma_start3A_25 = tpu.memref_slice %arg8[%arg0, %mul3A_19, %dma_start3A_24] : memref<2x10000x128xf32, #tpu.memory_space<hbm>> -> memref<1x625x128xf32, #tpu.memory_space<hbm>>
      %dma_start3A_26 = tpu.memref_squeeze %dma_start3A_25 : memref<1x625x128xf32, #tpu.memory_space<hbm>> -> memref<625x128xf32, #tpu.memory_space<hbm>>
      %dma_start3A_27 = arith.constant 0 : i32
      %dma_start3A_28 = tpu.memref_slice %arg15[%mul3A_17, %dma_start3A_27] : memref<10000x128xf32, #tpu.memory_space<vmem_shared>> -> memref<625x128xf32, #tpu.memory_space<vmem_shared>>
      tpu.enqueue_dma source(%dma_start3A_28 : memref<625x128xf32, #tpu.memory_space<vmem_shared>>) target(%dma_start3A_26 : memref<625x128xf32, #tpu.memory_space<hbm>>) target_semaphore(%run_scoped3A : memref<!tpu.dma_semaphore, #tpu.memory_space<semaphore_mem>>)
      %dma_wait3A = arith.constant 0 : i32
      %dma_wait3A_29 = tpu.memref_slice %arg8[%arg0, %mul3A_19, %dma_wait3A] : memref<2x10000x128xf32, #tpu.memory_space<hbm>> -> memref<1x625x128xf32, #tpu.memory_space<hbm>>
      %dma_wait3A_30 = tpu.memref_squeeze %dma_wait3A_29 : memref<1x625x128xf32, #tpu.memory_space<hbm>> -> memref<625x128xf32, #tpu.memory_space<hbm>>
      %dma_wait3A_31 = arith.constant 0 : i32
      %dma_wait3A_32 = tpu.memref_slice %arg15[%mul3A_17, %dma_wait3A_31] : memref<10000x128xf32, #tpu.memory_space<vmem_shared>> -> memref<625x128xf32, #tpu.memory_space<vmem_shared>>
      tpu.wait_dma2 semaphore(%run_scoped3A : memref<!tpu.dma_semaphore, #tpu.memory_space<semaphore_mem>>) src(%dma_wait3A_32 : memref<625x128xf32, #tpu.memory_space<vmem_shared>>) dst(%dma_wait3A_30 : memref<625x128xf32, #tpu.memory_space<hbm>>)
      tpu.yield
    }) : () -> ()
    %mul3A_20 = arith.constant 625 : i32
    %mul3A_21 = arith.muli %arg1, %mul3A_20 : i32
    %mul3A_22 = arith.constant 625 : i32
    %mul3A_23 = arith.muli %arg1, %mul3A_22 : i32
    "tpu.region"() ({
      %run_scoped3A = tpu.sem_alloc : memref<!tpu.dma_semaphore, #tpu.memory_space<semaphore_mem>>
      %dma_start3A_24 = arith.constant 0 : i32
      %dma_start3A_25 = tpu.memref_slice %arg9[%arg0, %mul3A_23, %dma_start3A_24] : memref<2x10000x16xf32, #tpu.memory_space<hbm>> -> memref<1x625x16xf32, #tpu.memory_space<hbm>>
      %dma_start3A_26 = tpu.memref_squeeze %dma_start3A_25 : memref<1x625x16xf32, #tpu.memory_space<hbm>> -> memref<625x16xf32, #tpu.memory_space<hbm>>
      %dma_start3A_27 = arith.constant 0 : i32
      %dma_start3A_28 = tpu.memref_slice %arg16[%mul3A_21, %dma_start3A_27] : memref<10000x16xf32, #tpu.memory_space<vmem_shared>> -> memref<625x16xf32, #tpu.memory_space<vmem_shared>>
      tpu.enqueue_dma source(%dma_start3A_28 : memref<625x16xf32, #tpu.memory_space<vmem_shared>>) target(%dma_start3A_26 : memref<625x16xf32, #tpu.memory_space<hbm>>) target_semaphore(%run_scoped3A : memref<!tpu.dma_semaphore, #tpu.memory_space<semaphore_mem>>)
      %dma_wait3A = arith.constant 0 : i32
      %dma_wait3A_29 = tpu.memref_slice %arg9[%arg0, %mul3A_23, %dma_wait3A] : memref<2x10000x16xf32, #tpu.memory_space<hbm>> -> memref<1x625x16xf32, #tpu.memory_space<hbm>>
      %dma_wait3A_30 = tpu.memref_squeeze %dma_wait3A_29 : memref<1x625x16xf32, #tpu.memory_space<hbm>> -> memref<625x16xf32, #tpu.memory_space<hbm>>
      %dma_wait3A_31 = arith.constant 0 : i32
      %dma_wait3A_32 = tpu.memref_slice %arg16[%mul3A_21, %dma_wait3A_31] : memref<10000x16xf32, #tpu.memory_space<vmem_shared>> -> memref<625x16xf32, #tpu.memory_space<vmem_shared>>
      tpu.wait_dma2 semaphore(%run_scoped3A : memref<!tpu.dma_semaphore, #tpu.memory_space<semaphore_mem>>) src(%dma_wait3A_32 : memref<625x16xf32, #tpu.memory_space<vmem_shared>>) dst(%dma_wait3A_30 : memref<625x16xf32, #tpu.memory_space<hbm>>)
      tpu.yield
    }) : () -> ()
    return
  }
}

#map = affine_map<(d0, d1) -> (0, 0)>
#map1 = affine_map<(d0, d1) -> (0, 0, 0)>
module attributes {stable_mosaic.version = 14 : i64} {
  func.func @body(%arg0: i32, %arg1: i32, %arg2: memref<10000x16xf32, #tpu.memory_space<hbm>>, %arg3: memref<32x80x125xi32, #tpu.memory_space<hbm>>, %arg4: memref<32x80x125xi32, #tpu.memory_space<hbm>>, %arg5: memref<625x16xf32, #tpu.memory_space<hbm>>, %arg6: memref<2x10000x16xf32, #tpu.memory_space<hbm>>, %arg7: memref<80x125xi32, #tpu.memory_space<vmem>>, %arg8: memref<80x125xi32, #tpu.memory_space<vmem>>, %arg9: memref<125x16xf32, #tpu.memory_space<vmem>>, %arg10: memref<125x16xf32, #tpu.memory_space<vmem>>, %arg11: memref<10000x16xf32, #tpu.memory_space<vmem_shared>>, %arg12: memref<!tpu.dma_semaphore, #tpu.memory_space<semaphore_mem>>, %arg13: memref<!tpu.dma_semaphore, #tpu.memory_space<semaphore_mem>>) attributes {dimension_semantics = [#tpu.dimension_semantics<core_parallel>, #tpu.dimension_semantics<subcore_parallel>], iteration_bounds = array<i64: 2, 16>, scalar_prefetch = 0 : i64, scratch_operands = 7 : i64, tpu.core_type = #tpu.core_type<sc_vector_subcore>, window_params = [{transform_indices = #map}, {transform_indices = #map1}, {transform_indices = #map1}, {transform_indices = #map}, {transform_indices = #map1}]} {
    %mul3A = arith.constant 16 : i32
    %mul3A_0 = arith.muli %arg0, %mul3A : i32
    %add3A = arith.addi %mul3A_0, %arg1 : i32
    "tpu.region"() ({
      %run_scoped3A = tpu.sem_alloc : memref<!tpu.dma_semaphore, #tpu.memory_space<semaphore_mem>>
      %dma_start3A_18 = arith.constant 0 : i32
      %dma_start3A_19 = arith.constant 0 : i32
      %dma_start3A_20 = tpu.memref_slice %arg3[%add3A, %dma_start3A_18, %dma_start3A_19] : memref<32x80x125xi32, #tpu.memory_space<hbm>> -> memref<1x80x125xi32, #tpu.memory_space<hbm>>
      %dma_start3A_21 = tpu.memref_squeeze %dma_start3A_20 : memref<1x80x125xi32, #tpu.memory_space<hbm>> -> memref<80x125xi32, #tpu.memory_space<hbm>>
      %dma_start3A_22 = arith.constant 0 : i32
      %dma_start3A_23 = arith.constant 0 : i32
      %dma_start3A_24 = tpu.memref_slice %arg3[%add3A, %dma_start3A_22, %dma_start3A_23] : memref<32x80x125xi32, #tpu.memory_space<hbm>> -> memref<1x80x125xi32, #tpu.memory_space<hbm>>
      %dma_start3A_25 = tpu.memref_squeeze %dma_start3A_24 : memref<1x80x125xi32, #tpu.memory_space<hbm>> -> memref<80x125xi32, #tpu.memory_space<hbm>>
      tpu.enqueue_dma source(%dma_start3A_25 : memref<80x125xi32, #tpu.memory_space<hbm>>) target(%arg7 : memref<80x125xi32, #tpu.memory_space<vmem>>) target_semaphore(%run_scoped3A : memref<!tpu.dma_semaphore, #tpu.memory_space<semaphore_mem>>)
      %dma_wait3A = arith.constant 0 : i32
      %dma_wait3A_26 = arith.constant 0 : i32
      %dma_wait3A_27 = tpu.memref_slice %arg3[%add3A, %dma_wait3A, %dma_wait3A_26] : memref<32x80x125xi32, #tpu.memory_space<hbm>> -> memref<1x80x125xi32, #tpu.memory_space<hbm>>
      %dma_wait3A_28 = tpu.memref_squeeze %dma_wait3A_27 : memref<1x80x125xi32, #tpu.memory_space<hbm>> -> memref<80x125xi32, #tpu.memory_space<hbm>>
      %dma_wait3A_29 = arith.constant 0 : i32
      %dma_wait3A_30 = arith.constant 0 : i32
      %dma_wait3A_31 = tpu.memref_slice %arg3[%add3A, %dma_wait3A_29, %dma_wait3A_30] : memref<32x80x125xi32, #tpu.memory_space<hbm>> -> memref<1x80x125xi32, #tpu.memory_space<hbm>>
      %dma_wait3A_32 = tpu.memref_squeeze %dma_wait3A_31 : memref<1x80x125xi32, #tpu.memory_space<hbm>> -> memref<80x125xi32, #tpu.memory_space<hbm>>
      tpu.wait_dma2 semaphore(%run_scoped3A : memref<!tpu.dma_semaphore, #tpu.memory_space<semaphore_mem>>) src(%dma_wait3A_32 : memref<80x125xi32, #tpu.memory_space<hbm>>) dst(%arg7 : memref<80x125xi32, #tpu.memory_space<vmem>>)
      tpu.yield
    }) : () -> ()
    "tpu.region"() ({
      %run_scoped3A = tpu.sem_alloc : memref<!tpu.dma_semaphore, #tpu.memory_space<semaphore_mem>>
      %dma_start3A_18 = arith.constant 0 : i32
      %dma_start3A_19 = arith.constant 0 : i32
      %dma_start3A_20 = tpu.memref_slice %arg4[%add3A, %dma_start3A_18, %dma_start3A_19] : memref<32x80x125xi32, #tpu.memory_space<hbm>> -> memref<1x80x125xi32, #tpu.memory_space<hbm>>
      %dma_start3A_21 = tpu.memref_squeeze %dma_start3A_20 : memref<1x80x125xi32, #tpu.memory_space<hbm>> -> memref<80x125xi32, #tpu.memory_space<hbm>>
      %dma_start3A_22 = arith.constant 0 : i32
      %dma_start3A_23 = arith.constant 0 : i32
      %dma_start3A_24 = tpu.memref_slice %arg4[%add3A, %dma_start3A_22, %dma_start3A_23] : memref<32x80x125xi32, #tpu.memory_space<hbm>> -> memref<1x80x125xi32, #tpu.memory_space<hbm>>
      %dma_start3A_25 = tpu.memref_squeeze %dma_start3A_24 : memref<1x80x125xi32, #tpu.memory_space<hbm>> -> memref<80x125xi32, #tpu.memory_space<hbm>>
      tpu.enqueue_dma source(%dma_start3A_25 : memref<80x125xi32, #tpu.memory_space<hbm>>) target(%arg8 : memref<80x125xi32, #tpu.memory_space<vmem>>) target_semaphore(%run_scoped3A : memref<!tpu.dma_semaphore, #tpu.memory_space<semaphore_mem>>)
      %dma_wait3A = arith.constant 0 : i32
      %dma_wait3A_26 = arith.constant 0 : i32
      %dma_wait3A_27 = tpu.memref_slice %arg4[%add3A, %dma_wait3A, %dma_wait3A_26] : memref<32x80x125xi32, #tpu.memory_space<hbm>> -> memref<1x80x125xi32, #tpu.memory_space<hbm>>
      %dma_wait3A_28 = tpu.memref_squeeze %dma_wait3A_27 : memref<1x80x125xi32, #tpu.memory_space<hbm>> -> memref<80x125xi32, #tpu.memory_space<hbm>>
      %dma_wait3A_29 = arith.constant 0 : i32
      %dma_wait3A_30 = arith.constant 0 : i32
      %dma_wait3A_31 = tpu.memref_slice %arg4[%add3A, %dma_wait3A_29, %dma_wait3A_30] : memref<32x80x125xi32, #tpu.memory_space<hbm>> -> memref<1x80x125xi32, #tpu.memory_space<hbm>>
      %dma_wait3A_32 = tpu.memref_squeeze %dma_wait3A_31 : memref<1x80x125xi32, #tpu.memory_space<hbm>> -> memref<80x125xi32, #tpu.memory_space<hbm>>
      tpu.wait_dma2 semaphore(%run_scoped3A : memref<!tpu.dma_semaphore, #tpu.memory_space<semaphore_mem>>) src(%dma_wait3A_32 : memref<80x125xi32, #tpu.memory_space<hbm>>) dst(%arg8 : memref<80x125xi32, #tpu.memory_space<vmem>>)
      tpu.yield
    }) : () -> ()
    %mul3A_1 = arith.constant 625 : i32
    %mul3A_2 = arith.muli %arg1, %mul3A_1 : i32
    "tpu.region"() ({
      %run_scoped3A = tpu.sem_alloc : memref<!tpu.dma_semaphore, #tpu.memory_space<semaphore_mem>>
      %dma_start3A_18 = arith.constant 0 : i32
      %dma_start3A_19 = tpu.memref_slice %arg11[%mul3A_2, %dma_start3A_18] : memref<10000x16xf32, #tpu.memory_space<vmem_shared>> -> memref<625x16xf32, #tpu.memory_space<vmem_shared>>
      tpu.enqueue_dma source(%arg5 : memref<625x16xf32, #tpu.memory_space<hbm>>) target(%dma_start3A_19 : memref<625x16xf32, #tpu.memory_space<vmem_shared>>) target_semaphore(%run_scoped3A : memref<!tpu.dma_semaphore, #tpu.memory_space<semaphore_mem>>)
      %dma_wait3A = arith.constant 0 : i32
      %dma_wait3A_20 = tpu.memref_slice %arg11[%mul3A_2, %dma_wait3A] : memref<10000x16xf32, #tpu.memory_space<vmem_shared>> -> memref<625x16xf32, #tpu.memory_space<vmem_shared>>
      tpu.wait_dma2 semaphore(%run_scoped3A : memref<!tpu.dma_semaphore, #tpu.memory_space<semaphore_mem>>) src(%arg5 : memref<625x16xf32, #tpu.memory_space<hbm>>) dst(%dma_wait3A_20 : memref<625x16xf32, #tpu.memory_space<vmem_shared>>)
      tpu.yield
    }) : () -> ()
    %barrier3A = arith.constant 0 : index
    tpu.barrier barrier_id(%barrier3A)
    %dma_start3A = arith.constant 0 : i32
    %dma_start3A_3 = arith.constant 0 : i32
    %dma_start3A_4 = tpu.memref_slice %arg7[%dma_start3A, %dma_start3A_3] : memref<80x125xi32, #tpu.memory_space<vmem>> -> memref<1x125xi32, #tpu.memory_space<vmem>>
    %dma_start3A_5 = tpu.memref_squeeze %dma_start3A_4 : memref<1x125xi32, #tpu.memory_space<vmem>> -> memref<125xi32, #tpu.memory_space<vmem>>
    %dma_start3A_6 = arith.constant 0 : i32
    %dma_start3A_7 = arith.constant 0 : i32
    %dma_start3A_8 = tpu.memref_slice %arg2[%dma_start3A_6, %dma_start3A_7] : memref<10000x16xf32, #tpu.memory_space<hbm>> -> memref<10000x16xf32, #tpu.memory_space<hbm>>
    tpu.enqueue_indirect_dma source(%dma_start3A_8 : memref<10000x16xf32, #tpu.memory_space<hbm>>) target(%arg9 : memref<125x16xf32, #tpu.memory_space<vmem>>) offsets(%dma_start3A_5 : memref<125xi32, #tpu.memory_space<vmem>>) semaphore(%arg12 : memref<!tpu.dma_semaphore, #tpu.memory_space<semaphore_mem>>)
    %scan3A = arith.constant 0 : i32
    %scan3A_9 = arith.constant 40 : i32
    %scan3A_10 = arith.addi %scan3A, %scan3A_9 : i32
    %scan3A_11 = arith.constant 1 : i32
    scf.for %scan3A_18 = %scan3A to %scan3A_10 step %scan3A_11  : i32 {
      %mul3A_19 = arith.constant 2 : i32
      %mul3A_20 = arith.muli %scan3A_18, %mul3A_19 : i32
      %add3A_21 = arith.constant 0 : i32
      %add3A_22 = arith.addi %add3A_21, %mul3A_20 : i32
      %add3A_23 = arith.constant 1 : i32
      %add3A_24 = arith.addi %add3A_22, %add3A_23 : i32
      %dma_start3A_25 = arith.constant 0 : i32
      %dma_start3A_26 = tpu.memref_slice %arg7[%add3A_24, %dma_start3A_25] : memref<80x125xi32, #tpu.memory_space<vmem>> -> memref<1x125xi32, #tpu.memory_space<vmem>>
      %dma_start3A_27 = tpu.memref_squeeze %dma_start3A_26 : memref<1x125xi32, #tpu.memory_space<vmem>> -> memref<125xi32, #tpu.memory_space<vmem>>
      %dma_start3A_28 = arith.constant 0 : i32
      %dma_start3A_29 = arith.constant 0 : i32
      %dma_start3A_30 = tpu.memref_slice %arg2[%dma_start3A_28, %dma_start3A_29] : memref<10000x16xf32, #tpu.memory_space<hbm>> -> memref<10000x16xf32, #tpu.memory_space<hbm>>
      tpu.enqueue_indirect_dma source(%dma_start3A_30 : memref<10000x16xf32, #tpu.memory_space<hbm>>) target(%arg10 : memref<125x16xf32, #tpu.memory_space<vmem>>) offsets(%dma_start3A_27 : memref<125xi32, #tpu.memory_space<vmem>>) semaphore(%arg13 : memref<!tpu.dma_semaphore, #tpu.memory_space<semaphore_mem>>)
      %dma_wait3A = arith.constant 0 : i32
      %dma_wait3A_31 = arith.constant 0 : i32
      %dma_wait3A_32 = tpu.memref_slice %arg2[%dma_wait3A, %dma_wait3A_31] : memref<10000x16xf32, #tpu.memory_space<hbm>> -> memref<125x16xf32, #tpu.memory_space<hbm>>
      %dma_wait3A_33 = arith.constant 0 : i32
      %dma_wait3A_34 = arith.constant 0 : i32
      %dma_wait3A_35 = tpu.memref_slice %arg2[%dma_wait3A_33, %dma_wait3A_34] : memref<10000x16xf32, #tpu.memory_space<hbm>> -> memref<125x16xf32, #tpu.memory_space<hbm>>
      tpu.wait_dma2 semaphore(%arg12 : memref<!tpu.dma_semaphore, #tpu.memory_space<semaphore_mem>>) src(%dma_wait3A_35 : memref<125x16xf32, #tpu.memory_space<hbm>>) dst(%arg9 : memref<125x16xf32, #tpu.memory_space<vmem>>)
      "tpu.region"() ({
        %run_scoped3A = tpu.sem_alloc : memref<!tpu.dma_semaphore, #tpu.memory_space<semaphore_mem>>
        %dma_start3A_48 = arith.constant 0 : i32
        %dma_start3A_49 = tpu.memref_slice %arg8[%add3A_22, %dma_start3A_48] : memref<80x125xi32, #tpu.memory_space<vmem>> -> memref<1x125xi32, #tpu.memory_space<vmem>>
        %dma_start3A_50 = tpu.memref_squeeze %dma_start3A_49 : memref<1x125xi32, #tpu.memory_space<vmem>> -> memref<125xi32, #tpu.memory_space<vmem>>
        %dma_start3A_51 = arith.constant 0 : i32
        %dma_start3A_52 = arith.constant 0 : i32
        %dma_start3A_53 = tpu.memref_slice %arg11[%dma_start3A_51, %dma_start3A_52] : memref<10000x16xf32, #tpu.memory_space<vmem_shared>> -> memref<10000x16xf32, #tpu.memory_space<vmem_shared>>
        tpu.enqueue_indirect_dma source(%arg9 : memref<125x16xf32, #tpu.memory_space<vmem>>) target(%dma_start3A_53 : memref<10000x16xf32, #tpu.memory_space<vmem_shared>>) offsets(%dma_start3A_50 : memref<125xi32, #tpu.memory_space<vmem>>) semaphore(%run_scoped3A : memref<!tpu.dma_semaphore, #tpu.memory_space<semaphore_mem>>) {add = true}
        %dma_wait3A_54 = arith.constant 0 : i32
        %dma_wait3A_55 = tpu.memref_slice %arg8[%add3A_22, %dma_wait3A_54] : memref<80x125xi32, #tpu.memory_space<vmem>> -> memref<1x125xi32, #tpu.memory_space<vmem>>
        %dma_wait3A_56 = tpu.memref_squeeze %dma_wait3A_55 : memref<1x125xi32, #tpu.memory_space<vmem>> -> memref<125xi32, #tpu.memory_space<vmem>>
        %dma_wait3A_57 = arith.constant 0 : i32
        %dma_wait3A_58 = arith.constant 0 : i32
        %dma_wait3A_59 = tpu.memref_slice %arg11[%dma_wait3A_57, %dma_wait3A_58] : memref<10000x16xf32, #tpu.memory_space<vmem_shared>> -> memref<10000x16xf32, #tpu.memory_space<vmem_shared>>
        tpu.wait_indirect_dma semaphore(%run_scoped3A : memref<!tpu.dma_semaphore, #tpu.memory_space<semaphore_mem>>) src(%arg9 : memref<125x16xf32, #tpu.memory_space<vmem>>) dst(%dma_wait3A_59 : memref<10000x16xf32, #tpu.memory_space<vmem_shared>>)
        tpu.yield
      }) : () -> ()
      %add3A_36 = arith.constant 2 : i32
      %add3A_37 = arith.addi %add3A_22, %add3A_36 : i32
      %lt3A = arith.constant 80 : i32
      %lt3A_38 = arith.cmpi slt, %add3A_37, %lt3A : i32
      %convert_element_type3A = arith.extui %lt3A_38 : i1 to i32
      %cond3A = arith.constant 0 : i32
      %cond3A_39 = arith.cmpi ne, %convert_element_type3A, %cond3A : i32
      scf.if %cond3A_39 {
        %add3A_48 = arith.constant 2 : i32
        %add3A_49 = arith.addi %add3A_22, %add3A_48 : i32
        %dma_start3A_50 = arith.constant 0 : i32
        %dma_start3A_51 = tpu.memref_slice %arg7[%add3A_49, %dma_start3A_50] : memref<80x125xi32, #tpu.memory_space<vmem>> -> memref<1x125xi32, #tpu.memory_space<vmem>>
        %dma_start3A_52 = tpu.memref_squeeze %dma_start3A_51 : memref<1x125xi32, #tpu.memory_space<vmem>> -> memref<125xi32, #tpu.memory_space<vmem>>
        %dma_start3A_53 = arith.constant 0 : i32
        %dma_start3A_54 = arith.constant 0 : i32
        %dma_start3A_55 = tpu.memref_slice %arg2[%dma_start3A_53, %dma_start3A_54] : memref<10000x16xf32, #tpu.memory_space<hbm>> -> memref<10000x16xf32, #tpu.memory_space<hbm>>
        tpu.enqueue_indirect_dma source(%dma_start3A_55 : memref<10000x16xf32, #tpu.memory_space<hbm>>) target(%arg9 : memref<125x16xf32, #tpu.memory_space<vmem>>) offsets(%dma_start3A_52 : memref<125xi32, #tpu.memory_space<vmem>>) semaphore(%arg12 : memref<!tpu.dma_semaphore, #tpu.memory_space<semaphore_mem>>)
      } else {
      }
      %dma_wait3A_40 = arith.constant 0 : i32
      %dma_wait3A_41 = arith.constant 0 : i32
      %dma_wait3A_42 = tpu.memref_slice %arg2[%dma_wait3A_40, %dma_wait3A_41] : memref<10000x16xf32, #tpu.memory_space<hbm>> -> memref<125x16xf32, #tpu.memory_space<hbm>>
      %dma_wait3A_43 = arith.constant 0 : i32
      %dma_wait3A_44 = arith.constant 0 : i32
      %dma_wait3A_45 = tpu.memref_slice %arg2[%dma_wait3A_43, %dma_wait3A_44] : memref<10000x16xf32, #tpu.memory_space<hbm>> -> memref<125x16xf32, #tpu.memory_space<hbm>>
      tpu.wait_dma2 semaphore(%arg13 : memref<!tpu.dma_semaphore, #tpu.memory_space<semaphore_mem>>) src(%dma_wait3A_45 : memref<125x16xf32, #tpu.memory_space<hbm>>) dst(%arg10 : memref<125x16xf32, #tpu.memory_space<vmem>>)
      %add3A_46 = arith.constant 1 : i32
      %add3A_47 = arith.addi %add3A_22, %add3A_46 : i32
      "tpu.region"() ({
        %run_scoped3A = tpu.sem_alloc : memref<!tpu.dma_semaphore, #tpu.memory_space<semaphore_mem>>
        %dma_start3A_48 = arith.constant 0 : i32
        %dma_start3A_49 = tpu.memref_slice %arg8[%add3A_47, %dma_start3A_48] : memref<80x125xi32, #tpu.memory_space<vmem>> -> memref<1x125xi32, #tpu.memory_space<vmem>>
        %dma_start3A_50 = tpu.memref_squeeze %dma_start3A_49 : memref<1x125xi32, #tpu.memory_space<vmem>> -> memref<125xi32, #tpu.memory_space<vmem>>
        %dma_start3A_51 = arith.constant 0 : i32
        %dma_start3A_52 = arith.constant 0 : i32
        %dma_start3A_53 = tpu.memref_slice %arg11[%dma_start3A_51, %dma_start3A_52] : memref<10000x16xf32, #tpu.memory_space<vmem_shared>> -> memref<10000x16xf32, #tpu.memory_space<vmem_shared>>
        tpu.enqueue_indirect_dma source(%arg10 : memref<125x16xf32, #tpu.memory_space<vmem>>) target(%dma_start3A_53 : memref<10000x16xf32, #tpu.memory_space<vmem_shared>>) offsets(%dma_start3A_50 : memref<125xi32, #tpu.memory_space<vmem>>) semaphore(%run_scoped3A : memref<!tpu.dma_semaphore, #tpu.memory_space<semaphore_mem>>) {add = true}
        %dma_wait3A_54 = arith.constant 0 : i32
        %dma_wait3A_55 = tpu.memref_slice %arg8[%add3A_47, %dma_wait3A_54] : memref<80x125xi32, #tpu.memory_space<vmem>> -> memref<1x125xi32, #tpu.memory_space<vmem>>
        %dma_wait3A_56 = tpu.memref_squeeze %dma_wait3A_55 : memref<1x125xi32, #tpu.memory_space<vmem>> -> memref<125xi32, #tpu.memory_space<vmem>>
        %dma_wait3A_57 = arith.constant 0 : i32
        %dma_wait3A_58 = arith.constant 0 : i32
        %dma_wait3A_59 = tpu.memref_slice %arg11[%dma_wait3A_57, %dma_wait3A_58] : memref<10000x16xf32, #tpu.memory_space<vmem_shared>> -> memref<10000x16xf32, #tpu.memory_space<vmem_shared>>
        tpu.wait_indirect_dma semaphore(%run_scoped3A : memref<!tpu.dma_semaphore, #tpu.memory_space<semaphore_mem>>) src(%arg10 : memref<125x16xf32, #tpu.memory_space<vmem>>) dst(%dma_wait3A_59 : memref<10000x16xf32, #tpu.memory_space<vmem_shared>>)
        tpu.yield
      }) : () -> ()
    }
    %scan3A_12 = arith.constant 40 : i32
    %barrier3A_13 = arith.constant 0 : index
    tpu.barrier barrier_id(%barrier3A_13)
    %mul3A_14 = arith.constant 625 : i32
    %mul3A_15 = arith.muli %arg1, %mul3A_14 : i32
    %mul3A_16 = arith.constant 625 : i32
    %mul3A_17 = arith.muli %arg1, %mul3A_16 : i32
    "tpu.region"() ({
      %run_scoped3A = tpu.sem_alloc : memref<!tpu.dma_semaphore, #tpu.memory_space<semaphore_mem>>
      %dma_start3A_18 = arith.constant 0 : i32
      %dma_start3A_19 = tpu.memref_slice %arg6[%arg0, %mul3A_17, %dma_start3A_18] : memref<2x10000x16xf32, #tpu.memory_space<hbm>> -> memref<1x625x16xf32, #tpu.memory_space<hbm>>
      %dma_start3A_20 = tpu.memref_squeeze %dma_start3A_19 : memref<1x625x16xf32, #tpu.memory_space<hbm>> -> memref<625x16xf32, #tpu.memory_space<hbm>>
      %dma_start3A_21 = arith.constant 0 : i32
      %dma_start3A_22 = tpu.memref_slice %arg11[%mul3A_15, %dma_start3A_21] : memref<10000x16xf32, #tpu.memory_space<vmem_shared>> -> memref<625x16xf32, #tpu.memory_space<vmem_shared>>
      tpu.enqueue_dma source(%dma_start3A_22 : memref<625x16xf32, #tpu.memory_space<vmem_shared>>) target(%dma_start3A_20 : memref<625x16xf32, #tpu.memory_space<hbm>>) target_semaphore(%run_scoped3A : memref<!tpu.dma_semaphore, #tpu.memory_space<semaphore_mem>>)
      %dma_wait3A = arith.constant 0 : i32
      %dma_wait3A_23 = tpu.memref_slice %arg6[%arg0, %mul3A_17, %dma_wait3A] : memref<2x10000x16xf32, #tpu.memory_space<hbm>> -> memref<1x625x16xf32, #tpu.memory_space<hbm>>
      %dma_wait3A_24 = tpu.memref_squeeze %dma_wait3A_23 : memref<1x625x16xf32, #tpu.memory_space<hbm>> -> memref<625x16xf32, #tpu.memory_space<hbm>>
      %dma_wait3A_25 = arith.constant 0 : i32
      %dma_wait3A_26 = tpu.memref_slice %arg11[%mul3A_15, %dma_wait3A_25] : memref<10000x16xf32, #tpu.memory_space<vmem_shared>> -> memref<625x16xf32, #tpu.memory_space<vmem_shared>>
      tpu.wait_dma2 semaphore(%run_scoped3A : memref<!tpu.dma_semaphore, #tpu.memory_space<semaphore_mem>>) src(%dma_wait3A_26 : memref<625x16xf32, #tpu.memory_space<vmem_shared>>) dst(%dma_wait3A_24 : memref<625x16xf32, #tpu.memory_space<hbm>>)
      tpu.yield
    }) : () -> ()
    return
  }
}

module attributes {stable_mosaic.version = 14 : i64} {
  func.func @_tc1_body(%arg0: i32, %arg1: memref<2x10000x128xf32, #tpu.memory_space<vmem>>, %arg2: memref<2x10000x16xf32, #tpu.memory_space<vmem>>, %arg3: memref<10000x128xf32, #tpu.memory_space<vmem>>, %arg4: memref<1x1x10000xf32, #tpu.memory_space<vmem>>, %arg5: memref<128x128xf32, #tpu.memory_space<vmem>>, %arg6: memref<1x128xf32, #tpu.memory_space<vmem>>, %arg7: memref<128x128xf32, #tpu.memory_space<vmem>>, %arg8: memref<128x16xf32, #tpu.memory_space<vmem>>, %arg9: memref<10000x16xf32, #tpu.memory_space<vmem>>, %arg10: memref<10000x16xf32, #tpu.memory_space<vmem>>, %arg11: memref<64x128xf32, #tpu.memory_space<vmem>>) attributes {dimension_semantics = [#tpu.dimension_semantics<arbitrary>], iteration_bounds = array<i64: 1>, scalar_prefetch = 0 : i64, scratch_operands = 0 : i64, tpu.core_type = #tpu.core_type<tc>, window_params = [{transform_indices = @transform_0, window_bounds = array<i64: 2, 10000, 128>}, {transform_indices = @transform_1, window_bounds = array<i64: 2, 10000, 16>}, {transform_indices = @transform_2, window_bounds = array<i64: 10000, 128>}, {transform_indices = @transform_3, window_bounds = array<i64: 1, 1, 10000>}, {pipeline_mode = #tpu.pipeline_mode<synchronous>, transform_indices = @transform_4, window_bounds = array<i64: 128, 128>}, {pipeline_mode = #tpu.pipeline_mode<synchronous>, transform_indices = @transform_5, window_bounds = array<i64: 1, 128>}, {pipeline_mode = #tpu.pipeline_mode<synchronous>, transform_indices = @transform_6, window_bounds = array<i64: 128, 128>}, {pipeline_mode = #tpu.pipeline_mode<synchronous>, transform_indices = @transform_7, window_bounds = array<i64: 128, 16>}, {transform_indices = @transform_8, window_bounds = array<i64: 10000, 16>}, {transform_indices = @transform_9, window_bounds = array<i64: 10000, 16>}, {pipeline_mode = #tpu.pipeline_mode<synchronous>, transform_indices = @transform_10, window_bounds = array<i64: 64, 128>}]} {
    %get3A = arith.constant 0 : index
    %get3A_0 = arith.constant 0 : index
    %get3A_1 = arith.constant 0 : index
    %get3A_2 = vector.load %arg1[%get3A, %get3A_0, %get3A_1] : memref<2x10000x128xf32, #tpu.memory_space<vmem>>, vector<1x10000x128xf32>
    %get3A_3 = vector.shape_cast %get3A_2 : vector<1x10000x128xf32> to vector<10000x128xf32>
    %get3A_4 = arith.constant 1 : index
    %get3A_5 = arith.constant 0 : index
    %get3A_6 = arith.constant 0 : index
    %get3A_7 = vector.load %arg1[%get3A_4, %get3A_5, %get3A_6] : memref<2x10000x128xf32, #tpu.memory_space<vmem>>, vector<1x10000x128xf32>
    %get3A_8 = vector.shape_cast %get3A_7 : vector<1x10000x128xf32> to vector<10000x128xf32>
    %add3A = arith.addf %get3A_3, %get3A_8 : vector<10000x128xf32>
    %get3A_9 = arith.constant 0 : index
    %get3A_10 = arith.constant 0 : index
    %get3A_11 = arith.constant 0 : index
    %get3A_12 = vector.load %arg2[%get3A_9, %get3A_10, %get3A_11] : memref<2x10000x16xf32, #tpu.memory_space<vmem>>, vector<1x10000x16xf32>
    %get3A_13 = vector.shape_cast %get3A_12 : vector<1x10000x16xf32> to vector<10000x16xf32>
    %get3A_14 = arith.constant 1 : index
    %get3A_15 = arith.constant 0 : index
    %get3A_16 = arith.constant 0 : index
    %get3A_17 = vector.load %arg2[%get3A_14, %get3A_15, %get3A_16] : memref<2x10000x16xf32, #tpu.memory_space<vmem>>, vector<1x10000x16xf32>
    %get3A_18 = vector.shape_cast %get3A_17 : vector<1x10000x16xf32> to vector<10000x16xf32>
    %add3A_19 = arith.addf %get3A_13, %get3A_18 : vector<10000x16xf32>
    %slice3A = vector.extract_strided_slice %add3A_19 {offsets = [0, 0], sizes = [10000, 1], strides = [1, 1]} : vector<10000x16xf32> to vector<10000x1xf32>
    %max3A = arith.constant 1.000000e+00 : f32
    %max3A_20 = vector.broadcast %max3A : f32 to vector<10000x1xf32>
    %max3A_21 = arith.maximumf %slice3A, %max3A_20 : vector<10000x1xf32>
    %div3A = arith.constant 1.000000e+00 : f32
    %div3A_22 = vector.broadcast %div3A : f32 to vector<10000x1xf32>
    %div3A_23 = arith.divf %div3A_22, %max3A_21 : vector<10000x1xf32>
    %mul3A = vector.broadcast %div3A_23 : vector<10000x1xf32> to vector<10000x128xf32>
    %mul3A_24 = arith.mulf %add3A, %mul3A : vector<10000x128xf32>
    %get3A_25 = arith.constant 0 : index
    %get3A_26 = arith.constant 0 : index
    %get3A_27 = vector.load %arg5[%get3A_25, %get3A_26] : memref<128x128xf32, #tpu.memory_space<vmem>>, vector<128x128xf32>
    %dot_general3A = arith.constant dense<0.000000e+00> : vector<10000x128xf32>
    %dot_general3A_28 = tpu.matmul %mul3A_24, %get3A_27, %dot_general3A {dimension_numbers = #tpu.dot_dimension_numbers<[1], [0], [0], [1], [0, 0, 1, 1], [], []>, transpose_lhs_hint = false} : vector<10000x128xf32>, vector<128x128xf32>, vector<10000x128xf32> -> vector<10000x128xf32>
    %get3A_29 = arith.constant 0 : index
    %get3A_30 = arith.constant 0 : index
    %get3A_31 = vector.load %arg6[%get3A_29, %get3A_30] : memref<1x128xf32, #tpu.memory_space<vmem>>, vector<1x128xf32>
    %add3A_32 = vector.broadcast %get3A_31 : vector<1x128xf32> to vector<10000x128xf32>
    %add3A_33 = arith.addf %dot_general3A_28, %add3A_32 : vector<10000x128xf32>
    %get3A_34 = arith.constant 0 : index
    %get3A_35 = arith.constant 0 : index
    %get3A_36 = vector.load %arg3[%get3A_34, %get3A_35] : memref<10000x128xf32, #tpu.memory_space<vmem>>, vector<10000x128xf32>
    %get3A_37 = arith.constant 0 : index
    %get3A_38 = arith.constant 0 : index
    %get3A_39 = vector.load %arg7[%get3A_37, %get3A_38] : memref<128x128xf32, #tpu.memory_space<vmem>>, vector<128x128xf32>
    %dot_general3A_40 = arith.constant dense<0.000000e+00> : vector<10000x128xf32>
    %dot_general3A_41 = tpu.matmul %get3A_36, %get3A_39, %dot_general3A_40 {dimension_numbers = #tpu.dot_dimension_numbers<[1], [0], [0], [1], [0, 0, 1, 1], [], []>, transpose_lhs_hint = false} : vector<10000x128xf32>, vector<128x128xf32>, vector<10000x128xf32> -> vector<10000x128xf32>
    %add3A_42 = arith.addf %add3A_33, %dot_general3A_41 : vector<10000x128xf32>
    %max3A_43 = arith.constant 0.000000e+00 : f32
    %max3A_44 = vector.broadcast %max3A_43 : f32 to vector<10000x128xf32>
    %max3A_45 = arith.maximumf %add3A_42, %max3A_44 : vector<10000x128xf32>
    %get3A_46 = arith.constant 0 : index
    %get3A_47 = arith.constant 0 : index
    %get3A_48 = vector.load %arg8[%get3A_46, %get3A_47] : memref<128x16xf32, #tpu.memory_space<vmem>>, vector<128x16xf32>
    %dot_general3A_49 = arith.constant dense<0.000000e+00> : vector<10000x16xf32>
    %dot_general3A_50 = tpu.matmul %max3A_45, %get3A_48, %dot_general3A_49 {dimension_numbers = #tpu.dot_dimension_numbers<[1], [0], [0], [1], [0, 0, 1, 1], [], []>, transpose_lhs_hint = false} : vector<10000x128xf32>, vector<128x16xf32>, vector<10000x16xf32> -> vector<10000x16xf32>
    %swap3A = arith.constant 0 : index
    %swap3A_51 = arith.constant 0 : index
    %swap3A_52 = vector.load %arg9[%swap3A, %swap3A_51] : memref<10000x16xf32, #tpu.memory_space<vmem>>, vector<10000x16xf32>
    tpu.vector_store %arg9[%swap3A, %swap3A_51], %dot_general3A_50 {strides = array<i32>} : memref<10000x16xf32, #tpu.memory_space<vmem>>, vector<10000x16xf32>,
    %broadcast_in_dim3A = vector.shape_cast %div3A_23 : vector<10000x1xf32> to vector<10000x1xf32>
    %broadcast_in_dim3A_53 = vector.broadcast %broadcast_in_dim3A : vector<10000x1xf32> to vector<10000x16xf32>
    %swap3A_54 = arith.constant 0 : index
    %swap3A_55 = arith.constant 0 : index
    %swap3A_56 = vector.load %arg10[%swap3A_54, %swap3A_55] : memref<10000x16xf32, #tpu.memory_space<vmem>>, vector<10000x16xf32>
    tpu.vector_store %arg10[%swap3A_54, %swap3A_55], %broadcast_in_dim3A_53 {strides = array<i32>} : memref<10000x16xf32, #tpu.memory_space<vmem>>, vector<10000x16xf32>,
    %iota3A = tpu.iota {dimensions = array<i32: 0>} : vector<64x10000xi32>
    %convert_element_type3A = arith.sitofp %iota3A : vector<64x10000xi32> to vector<64x10000xf32>
    %get3A_57 = arith.constant 0 : index
    %get3A_58 = arith.constant 0 : index
    %get3A_59 = arith.constant 0 : index
    %get3A_60 = vector.load %arg4[%get3A_57, %get3A_58, %get3A_59] : memref<1x1x10000xf32, #tpu.memory_space<vmem>>, vector<1x1x10000xf32>
    %get3A_61 = vector.shape_cast %get3A_60 : vector<1x1x10000xf32> to vector<1x10000xf32>
    %broadcast_in_dim3A_62 = vector.shape_cast %get3A_61 : vector<1x10000xf32> to vector<1x10000xf32>
    %broadcast_in_dim3A_63 = vector.broadcast %broadcast_in_dim3A_62 : vector<1x10000xf32> to vector<64x10000xf32>
    %eq3A = arith.cmpf oeq, %convert_element_type3A, %broadcast_in_dim3A_63 : vector<64x10000xf32>
    %jit3A = arith.constant 1.000000e+00 : f32
    %jit3A_64 = arith.constant 0.000000e+00 : f32
    %broadcast_in_dim3A_65 = vector.broadcast %jit3A : f32 to vector<64x10000xf32>
    %broadcast_in_dim3A_66 = vector.broadcast %jit3A_64 : f32 to vector<64x10000xf32>
    %select_n3A = arith.select %eq3A, %broadcast_in_dim3A_65, %broadcast_in_dim3A_66 : vector<64x10000xi1>, vector<64x10000xf32>
    %eq3A_67 = arith.constant 0 : i32
    %eq3A_68 = arith.cmpi eq, %arg0, %eq3A_67 : i32
    %convert_element_type3A_69 = arith.extui %eq3A_68 : i1 to i32
    %cond3A = arith.constant 0 : i32
    %cond3A_70 = arith.cmpi ne, %convert_element_type3A_69, %cond3A : i32
    scf.if %cond3A_70 {
      %broadcast_in_dim3A_80 = arith.constant 0.000000e+00 : f32
      %broadcast_in_dim3A_81 = vector.broadcast %broadcast_in_dim3A_80 : f32 to vector<64x128xf32>
      %swap3A_82 = arith.constant 0 : index
      %swap3A_83 = arith.constant 0 : index
      %swap3A_84 = vector.load %arg11[%swap3A_82, %swap3A_83] : memref<64x128xf32, #tpu.memory_space<vmem>>, vector<64x128xf32>
      tpu.vector_store %arg11[%swap3A_82, %swap3A_83], %broadcast_in_dim3A_81 {strides = array<i32>} : memref<64x128xf32, #tpu.memory_space<vmem>>, vector<64x128xf32>,
    } else {
    }
    %get3A_71 = arith.constant 0 : index
    %get3A_72 = arith.constant 0 : index
    %get3A_73 = vector.load %arg11[%get3A_71, %get3A_72] : memref<64x128xf32, #tpu.memory_space<vmem>>, vector<64x128xf32>
    %dot_general3A_74 = arith.constant dense<0.000000e+00> : vector<64x128xf32>
    %dot_general3A_75 = tpu.matmul %select_n3A, %max3A_45, %dot_general3A_74 {dimension_numbers = #tpu.dot_dimension_numbers<[1], [0], [0], [1], [0, 0, 1, 1], [], []>, transpose_lhs_hint = false} : vector<64x10000xf32>, vector<10000x128xf32>, vector<64x128xf32> -> vector<64x128xf32>
    %add3A_76 = arith.addf %get3A_73, %dot_general3A_75 : vector<64x128xf32>
    %swap3A_77 = arith.constant 0 : index
    %swap3A_78 = arith.constant 0 : index
    %swap3A_79 = vector.load %arg11[%swap3A_77, %swap3A_78] : memref<64x128xf32, #tpu.memory_space<vmem>>, vector<64x128xf32>
    tpu.vector_store %arg11[%swap3A_77, %swap3A_78], %add3A_76 {strides = array<i32>} : memref<64x128xf32, #tpu.memory_space<vmem>>, vector<64x128xf32>,
    return
  }
  func.func @transform_0(%arg0: i32) -> (i32, i32, i32) {
    %c0_i32 = arith.constant 0 : i32
    %c0_i32_0 = arith.constant 0 : i32
    %c0_i32_1 = arith.constant 0 : i32
    return %c0_i32, %arg0, %c0_i32_0 : i32, i32, i32
  }
  func.func @transform_1(%arg0: i32) -> (i32, i32, i32) {
    %c0_i32 = arith.constant 0 : i32
    %c0_i32_0 = arith.constant 0 : i32
    %c0_i32_1 = arith.constant 0 : i32
    return %c0_i32, %arg0, %c0_i32_0 : i32, i32, i32
  }
  func.func @transform_2(%arg0: i32) -> (i32, i32) {
    %c0_i32 = arith.constant 0 : i32
    %c0_i32_0 = arith.constant 0 : i32
    return %arg0, %c0_i32 : i32, i32
  }
  func.func @transform_3(%arg0: i32) -> (i32, i32, i32) {
    %c0_i32 = arith.constant 0 : i32
    %c0_i32_0 = arith.constant 0 : i32
    %c0_i32_1 = arith.constant 0 : i32
    return %arg0, %c0_i32, %c0_i32_0 : i32, i32, i32
  }
  func.func @transform_4(%arg0: i32) -> (i32, i32) {
    %c0_i32 = arith.constant 0 : i32
    %c0_i32_0 = arith.constant 0 : i32
    %c0_i32_1 = arith.constant 0 : i32
    return %c0_i32, %c0_i32_0 : i32, i32
  }
  func.func @transform_5(%arg0: i32) -> (i32, i32) {
    %c0_i32 = arith.constant 0 : i32
    %c0_i32_0 = arith.constant 0 : i32
    %c0_i32_1 = arith.constant 0 : i32
    return %c0_i32, %c0_i32_0 : i32, i32
  }
  func.func @transform_6(%arg0: i32) -> (i32, i32) {
    %c0_i32 = arith.constant 0 : i32
    %c0_i32_0 = arith.constant 0 : i32
    %c0_i32_1 = arith.constant 0 : i32
    return %c0_i32, %c0_i32_0 : i32, i32
  }
  func.func @transform_7(%arg0: i32) -> (i32, i32) {
    %c0_i32 = arith.constant 0 : i32
    %c0_i32_0 = arith.constant 0 : i32
    %c0_i32_1 = arith.constant 0 : i32
    return %c0_i32, %c0_i32_0 : i32, i32
  }
  func.func @transform_8(%arg0: i32) -> (i32, i32) {
    %c0_i32 = arith.constant 0 : i32
    %c0_i32_0 = arith.constant 0 : i32
    return %arg0, %c0_i32 : i32, i32
  }
  func.func @transform_9(%arg0: i32) -> (i32, i32) {
    %c0_i32 = arith.constant 0 : i32
    %c0_i32_0 = arith.constant 0 : i32
    return %arg0, %c0_i32 : i32, i32
  }
  func.func @transform_10(%arg0: i32) -> (i32, i32) {
    %c0_i32 = arith.constant 0 : i32
    %c0_i32_0 = arith.constant 0 : i32
    %c0_i32_1 = arith.constant 0 : i32
    return %c0_i32, %c0_i32_0 : i32, i32
  }
}

module attributes {stable_mosaic.version = 14 : i64} {
  func.func @_tc2_body(%arg0: i32, %arg1: memref<2x10000x16xf32, #tpu.memory_space<vmem>>, %arg2: memref<10000x16xf32, #tpu.memory_space<vmem>>, %arg3: memref<1x1x10000xf32, #tpu.memory_space<vmem>>, %arg4: memref<64x128xf32, #tpu.memory_space<vmem>>, %arg5: memref<128x16xf32, #tpu.memory_space<vmem>>, %arg6: memref<1x16xf32, #tpu.memory_space<vmem>>, %arg7: memref<64x16xf32, #tpu.memory_space<vmem>>, %arg8: memref<64x16xf32, #tpu.memory_space<vmem>>, %arg9: memref<64x16xf32, #tpu.memory_space<vmem>>, %arg10: memref<64x16xf32, #tpu.memory_space<vmem>>) attributes {dimension_semantics = [#tpu.dimension_semantics<arbitrary>], iteration_bounds = array<i64: 1>, scalar_prefetch = 0 : i64, scratch_operands = 2 : i64, tpu.core_type = #tpu.core_type<tc>, window_params = [{transform_indices = @transform_0, window_bounds = array<i64: 2, 10000, 16>}, {transform_indices = @transform_1, window_bounds = array<i64: 10000, 16>}, {transform_indices = @transform_2, window_bounds = array<i64: 1, 1, 10000>}, {pipeline_mode = #tpu.pipeline_mode<synchronous>, transform_indices = @transform_3, window_bounds = array<i64: 64, 128>}, {pipeline_mode = #tpu.pipeline_mode<synchronous>, transform_indices = @transform_4, window_bounds = array<i64: 128, 16>}, {pipeline_mode = #tpu.pipeline_mode<synchronous>, transform_indices = @transform_5, window_bounds = array<i64: 1, 16>}, {pipeline_mode = #tpu.pipeline_mode<synchronous>, transform_indices = @transform_6, window_bounds = array<i64: 64, 16>}, {pipeline_mode = #tpu.pipeline_mode<synchronous>, transform_indices = @transform_7, window_bounds = array<i64: 64, 16>}]} {
    %eq3A = arith.constant 0 : i32
    %eq3A_0 = arith.cmpi eq, %arg0, %eq3A : i32
    %convert_element_type3A = arith.extui %eq3A_0 : i1 to i32
    %cond3A = arith.constant 0 : i32
    %cond3A_1 = arith.cmpi ne, %convert_element_type3A, %cond3A : i32
    scf.if %cond3A_1 {
      %broadcast_in_dim3A_48 = arith.constant 0.000000e+00 : f32
      %broadcast_in_dim3A_49 = vector.broadcast %broadcast_in_dim3A_48 : f32 to vector<64x16xf32>
      %swap3A_50 = arith.constant 0 : index
      %swap3A_51 = arith.constant 0 : index
      %swap3A_52 = vector.load %arg9[%swap3A_50, %swap3A_51] : memref<64x16xf32, #tpu.memory_space<vmem>>, vector<64x16xf32>
      tpu.vector_store %arg9[%swap3A_50, %swap3A_51], %broadcast_in_dim3A_49 {strides = array<i32>} : memref<64x16xf32, #tpu.memory_space<vmem>>, vector<64x16xf32>,
      %broadcast_in_dim3A_53 = arith.constant 0.000000e+00 : f32
      %broadcast_in_dim3A_54 = vector.broadcast %broadcast_in_dim3A_53 : f32 to vector<64x16xf32>
      %swap3A_55 = arith.constant 0 : index
      %swap3A_56 = arith.constant 0 : index
      %swap3A_57 = vector.load %arg10[%swap3A_55, %swap3A_56] : memref<64x16xf32, #tpu.memory_space<vmem>>, vector<64x16xf32>
      tpu.vector_store %arg10[%swap3A_55, %swap3A_56], %broadcast_in_dim3A_54 {strides = array<i32>} : memref<64x16xf32, #tpu.memory_space<vmem>>, vector<64x16xf32>,
    } else {
    }
    %get3A = arith.constant 0 : index
    %get3A_2 = arith.constant 0 : index
    %get3A_3 = arith.constant 0 : index
    %get3A_4 = vector.load %arg1[%get3A, %get3A_2, %get3A_3] : memref<2x10000x16xf32, #tpu.memory_space<vmem>>, vector<1x10000x16xf32>
    %get3A_5 = vector.shape_cast %get3A_4 : vector<1x10000x16xf32> to vector<10000x16xf32>
    %get3A_6 = arith.constant 1 : index
    %get3A_7 = arith.constant 0 : index
    %get3A_8 = arith.constant 0 : index
    %get3A_9 = vector.load %arg1[%get3A_6, %get3A_7, %get3A_8] : memref<2x10000x16xf32, #tpu.memory_space<vmem>>, vector<1x10000x16xf32>
    %get3A_10 = vector.shape_cast %get3A_9 : vector<1x10000x16xf32> to vector<10000x16xf32>
    %add3A = arith.addf %get3A_5, %get3A_10 : vector<10000x16xf32>
    %get3A_11 = arith.constant 0 : index
    %get3A_12 = arith.constant 0 : index
    %get3A_13 = vector.load %arg2[%get3A_11, %get3A_12] : memref<10000x16xf32, #tpu.memory_space<vmem>>, vector<10000x16xf32>
    %mul3A = arith.mulf %add3A, %get3A_13 : vector<10000x16xf32>
    %iota3A = tpu.iota {dimensions = array<i32: 0>} : vector<64x10000xi32>
    %convert_element_type3A_14 = arith.sitofp %iota3A : vector<64x10000xi32> to vector<64x10000xf32>
    %get3A_15 = arith.constant 0 : index
    %get3A_16 = arith.constant 0 : index
    %get3A_17 = arith.constant 0 : index
    %get3A_18 = vector.load %arg3[%get3A_15, %get3A_16, %get3A_17] : memref<1x1x10000xf32, #tpu.memory_space<vmem>>, vector<1x1x10000xf32>
    %get3A_19 = vector.shape_cast %get3A_18 : vector<1x1x10000xf32> to vector<1x10000xf32>
    %broadcast_in_dim3A = vector.shape_cast %get3A_19 : vector<1x10000xf32> to vector<1x10000xf32>
    %broadcast_in_dim3A_20 = vector.broadcast %broadcast_in_dim3A : vector<1x10000xf32> to vector<64x10000xf32>
    %eq3A_21 = arith.cmpf oeq, %convert_element_type3A_14, %broadcast_in_dim3A_20 : vector<64x10000xf32>
    %jit3A = arith.constant 1.000000e+00 : f32
    %jit3A_22 = arith.constant 0.000000e+00 : f32
    %broadcast_in_dim3A_23 = vector.broadcast %jit3A : f32 to vector<64x10000xf32>
    %broadcast_in_dim3A_24 = vector.broadcast %jit3A_22 : f32 to vector<64x10000xf32>
    %select_n3A = arith.select %eq3A_21, %broadcast_in_dim3A_23, %broadcast_in_dim3A_24 : vector<64x10000xi1>, vector<64x10000xf32>
    %get3A_25 = arith.constant 0 : index
    %get3A_26 = arith.constant 0 : index
    %get3A_27 = vector.load %arg9[%get3A_25, %get3A_26] : memref<64x16xf32, #tpu.memory_space<vmem>>, vector<64x16xf32>
    %dot_general3A = arith.constant dense<0.000000e+00> : vector<64x16xf32>
    %dot_general3A_28 = tpu.matmul %select_n3A, %mul3A, %dot_general3A {dimension_numbers = #tpu.dot_dimension_numbers<[1], [0], [0], [1], [0, 0, 1, 1], [], []>, transpose_lhs_hint = false} : vector<64x10000xf32>, vector<10000x16xf32>, vector<64x16xf32> -> vector<64x16xf32>
    %add3A_29 = arith.addf %get3A_27, %dot_general3A_28 : vector<64x16xf32>
    %swap3A = arith.constant 0 : index
    %swap3A_30 = arith.constant 0 : index
    %swap3A_31 = vector.load %arg9[%swap3A, %swap3A_30] : memref<64x16xf32, #tpu.memory_space<vmem>>, vector<64x16xf32>
    tpu.vector_store %arg9[%swap3A, %swap3A_30], %add3A_29 {strides = array<i32>} : memref<64x16xf32, #tpu.memory_space<vmem>>, vector<64x16xf32>,
    %get3A_32 = arith.constant 0 : index
    %get3A_33 = arith.constant 0 : index
    %get3A_34 = vector.load %arg10[%get3A_32, %get3A_33] : memref<64x16xf32, #tpu.memory_space<vmem>>, vector<64x16xf32>
    %broadcast_in_dim3A_35 = arith.constant 1.000000e+00 : f32
    %broadcast_in_dim3A_36 = vector.broadcast %broadcast_in_dim3A_35 : f32 to vector<10000x16xf32>
    %dot_general3A_37 = arith.constant dense<0.000000e+00> : vector<64x16xf32>
    %dot_general3A_38 = tpu.matmul %select_n3A, %broadcast_in_dim3A_36, %dot_general3A_37 {dimension_numbers = #tpu.dot_dimension_numbers<[1], [0], [0], [1], [0, 0, 1, 1], [], []>, transpose_lhs_hint = false} : vector<64x10000xf32>, vector<10000x16xf32>, vector<64x16xf32> -> vector<64x16xf32>
    %add3A_39 = arith.addf %get3A_34, %dot_general3A_38 : vector<64x16xf32>
    %swap3A_40 = arith.constant 0 : index
    %swap3A_41 = arith.constant 0 : index
    %swap3A_42 = vector.load %arg10[%swap3A_40, %swap3A_41] : memref<64x16xf32, #tpu.memory_space<vmem>>, vector<64x16xf32>
    tpu.vector_store %arg10[%swap3A_40, %swap3A_41], %add3A_39 {strides = array<i32>} : memref<64x16xf32, #tpu.memory_space<vmem>>, vector<64x16xf32>,
    %eq3A_43 = arith.constant 0 : i32
    %eq3A_44 = arith.cmpi eq, %arg0, %eq3A_43 : i32
    %convert_element_type3A_45 = arith.extui %eq3A_44 : i1 to i32
    %cond3A_46 = arith.constant 0 : i32
    %cond3A_47 = arith.cmpi ne, %convert_element_type3A_45, %cond3A_46 : i32
    scf.if %cond3A_47 {
      %get3A_48 = arith.constant 0 : index
      %get3A_49 = arith.constant 0 : index
      %get3A_50 = vector.load %arg10[%get3A_48, %get3A_49] : memref<64x16xf32, #tpu.memory_space<vmem>>, vector<64x1xf32>
      %get3A_51 = arith.constant 0 : index
      %get3A_52 = arith.constant 0 : index
      %get3A_53 = vector.load %arg9[%get3A_51, %get3A_52] : memref<64x16xf32, #tpu.memory_space<vmem>>, vector<64x16xf32>
      %get3A_54 = arith.constant 0 : index
      %get3A_55 = arith.constant 0 : index
      %get3A_56 = vector.load %arg4[%get3A_54, %get3A_55] : memref<64x128xf32, #tpu.memory_space<vmem>>, vector<64x128xf32>
      %get3A_57 = arith.constant 0 : index
      %get3A_58 = arith.constant 0 : index
      %get3A_59 = vector.load %arg5[%get3A_57, %get3A_58] : memref<128x16xf32, #tpu.memory_space<vmem>>, vector<128x16xf32>
      %dot_general3A_60 = arith.constant dense<0.000000e+00> : vector<64x16xf32>
      %dot_general3A_61 = tpu.matmul %get3A_56, %get3A_59, %dot_general3A_60 {dimension_numbers = #tpu.dot_dimension_numbers<[1], [0], [0], [1], [0, 0, 1, 1], [], []>, transpose_lhs_hint = false} : vector<64x128xf32>, vector<128x16xf32>, vector<64x16xf32> -> vector<64x16xf32>
      %add3A_62 = arith.addf %get3A_53, %dot_general3A_61 : vector<64x16xf32>
      %get3A_63 = arith.constant 0 : index
      %get3A_64 = arith.constant 0 : index
      %get3A_65 = vector.load %arg6[%get3A_63, %get3A_64] : memref<1x16xf32, #tpu.memory_space<vmem>>, vector<1x16xf32>
      %mul3A_66 = vector.broadcast %get3A_50 : vector<64x1xf32> to vector<64x16xf32>
      %mul3A_67 = vector.broadcast %get3A_65 : vector<1x16xf32> to vector<64x16xf32>
      %mul3A_68 = arith.mulf %mul3A_66, %mul3A_67 : vector<64x16xf32>
      %add3A_69 = arith.addf %add3A_62, %mul3A_68 : vector<64x16xf32>
      %max3A = arith.constant 1.000000e+00 : f32
      %max3A_70 = vector.broadcast %max3A : f32 to vector<64x1xf32>
      %max3A_71 = arith.maximumf %get3A_50, %max3A_70 : vector<64x1xf32>
      %div3A = vector.broadcast %max3A_71 : vector<64x1xf32> to vector<64x16xf32>
      %div3A_72 = arith.divf %add3A_69, %div3A : vector<64x16xf32>
      %iota3A_73 = tpu.iota {dimensions = array<i32: 1>} : vector<64x16xi32>
      %lt3A = arith.constant 2 : i32
      %lt3A_74 = vector.broadcast %lt3A : i32 to vector<64x16xi32>
      %lt3A_75 = arith.cmpi slt, %iota3A_73, %lt3A_74 : vector<64x16xi32>
      %jit3A_76 = arith.constant -1.000000e+30 : f32
      %broadcast_in_dim3A_77 = vector.broadcast %jit3A_76 : f32 to vector<64x16xf32>
      %select_n3A_78 = arith.select %lt3A_75, %div3A_72, %broadcast_in_dim3A_77 : vector<64x16xi1>, vector<64x16xf32>
      %reduce_max3A = arith.constant dense<0xFF800000> : vector<64xf32>
      %reduce_max3A_79 = vector.multi_reduction <maximumf>, %select_n3A_78, %reduce_max3A [1] : vector<64x16xf32> to vector<64xf32>
      %broadcast_in_dim3A_80 = vector.shape_cast %reduce_max3A_79 : vector<64xf32> to vector<64x1xf32>
      %sub3A = vector.broadcast %broadcast_in_dim3A_80 : vector<64x1xf32> to vector<64x16xf32>
      %sub3A_81 = arith.subf %div3A_72, %sub3A : vector<64x16xf32>
      %exp3A = math.exp %sub3A_81 : vector<64x16xf32>
      %jit3A_82 = arith.constant 0.000000e+00 : f32
      %broadcast_in_dim3A_83 = vector.broadcast %jit3A_82 : f32 to vector<64x16xf32>
      %select_n3A_84 = arith.select %lt3A_75, %exp3A, %broadcast_in_dim3A_83 : vector<64x16xi1>, vector<64x16xf32>
      %reduce_sum3A = arith.constant dense<0.000000e+00> : vector<64xf32>
      %reduce_sum3A_85 = vector.multi_reduction <add>, %select_n3A_84, %reduce_sum3A [1] : vector<64x16xf32> to vector<64xf32>
      %broadcast_in_dim3A_86 = vector.shape_cast %reduce_sum3A_85 : vector<64xf32> to vector<64x1xf32>
      %swap3A_87 = arith.constant 0 : index
      %swap3A_88 = arith.constant 0 : index
      %swap3A_89 = vector.load %arg7[%swap3A_87, %swap3A_88] : memref<64x16xf32, #tpu.memory_space<vmem>>, vector<64x16xf32>
      tpu.vector_store %arg7[%swap3A_87, %swap3A_88], %div3A_72 {strides = array<i32>} : memref<64x16xf32, #tpu.memory_space<vmem>>, vector<64x16xf32>,
      %log3A = math.log %broadcast_in_dim3A_86 : vector<64x1xf32>
      %sub3A_90 = vector.broadcast %log3A : vector<64x1xf32> to vector<64x16xf32>
      %sub3A_91 = arith.subf %sub3A_81, %sub3A_90 : vector<64x16xf32>
      %swap3A_92 = arith.constant 0 : index
      %swap3A_93 = arith.constant 0 : index
      %swap3A_94 = vector.load %arg8[%swap3A_92, %swap3A_93] : memref<64x16xf32, #tpu.memory_space<vmem>>, vector<64x16xf32>
      tpu.vector_store %arg8[%swap3A_92, %swap3A_93], %sub3A_91 {strides = array<i32>} : memref<64x16xf32, #tpu.memory_space<vmem>>, vector<64x16xf32>,
    } else {
    }
    return
  }
  func.func @transform_0(%arg0: i32) -> (i32, i32, i32) {
    %c0_i32 = arith.constant 0 : i32
    %c0_i32_0 = arith.constant 0 : i32
    %c0_i32_1 = arith.constant 0 : i32
    return %c0_i32, %arg0, %c0_i32_0 : i32, i32, i32
  }
  func.func @transform_1(%arg0: i32) -> (i32, i32) {
    %c0_i32 = arith.constant 0 : i32
    %c0_i32_0 = arith.constant 0 : i32
    return %arg0, %c0_i32 : i32, i32
  }
  func.func @transform_2(%arg0: i32) -> (i32, i32, i32) {
    %c0_i32 = arith.constant 0 : i32
    %c0_i32_0 = arith.constant 0 : i32
    %c0_i32_1 = arith.constant 0 : i32
    return %arg0, %c0_i32, %c0_i32_0 : i32, i32, i32
  }
  func.func @transform_3(%arg0: i32) -> (i32, i32) {
    %c0_i32 = arith.constant 0 : i32
    %c0_i32_0 = arith.constant 0 : i32
    %c0_i32_1 = arith.constant 0 : i32
    return %c0_i32, %c0_i32_0 : i32, i32
  }
  func.func @transform_4(%arg0: i32) -> (i32, i32) {
    %c0_i32 = arith.constant 0 : i32
    %c0_i32_0 = arith.constant 0 : i32
    %c0_i32_1 = arith.constant 0 : i32
    return %c0_i32, %c0_i32_0 : i32, i32
  }
  func.func @transform_5(%arg0: i32) -> (i32, i32) {
    %c0_i32 = arith.constant 0 : i32
    %c0_i32_0 = arith.constant 0 : i32
    %c0_i32_1 = arith.constant 0 : i32
    return %c0_i32, %c0_i32_0 : i32, i32
  }
  func.func @transform_6(%arg0: i32) -> (i32, i32) {
    %c0_i32 = arith.constant 0 : i32
    %c0_i32_0 = arith.constant 0 : i32
    %c0_i32_1 = arith.constant 0 : i32
    return %c0_i32, %c0_i32_0 : i32, i32
  }
  func.func @transform_7(%arg0: i32) -> (i32, i32) {
    %c0_i32 = arith.constant 0 : i32
    %c0_i32_0 = arith.constant 0 : i32
    %c0_i32_1 = arith.constant 0 : i32
    return %c0_i32, %c0_i32_0 : i32, i32
  }
}

</mosaic_0001>

<sc_bundles>
// kernel: kernel.6.cloned.1.call-start
scs
__scs_entry_jumppad:
0x0: {  	(pc) =	sbr.rel $0x88, $3  }
0x1: {  	(tag) =	ssettag $0x0;
	lr =	simm.s32 $0x1  }
0x2: {  	[smem:$0x3F98] =	sst lr;
	_ =	strace $0xD0000000  }
0x3: {  	_ = 	snop  }
0x4: {  	_ = 	snop  }
0x5: {  	_ = 	snop  }
0x6: {  	_ = 	snop  }
0x7: {  	_ = 	snop  }
__scs_overlays_trampoline_lowered:
0x8: {  	[smem:$0x3FA7] =	sst s0  }
0x9: {  	[smem:$0x3FA8] =	sst s1  }
0xa: {  	[smem:$0x3FA9] =	sst s2  }
0xb: {  	[smem:$0x3FAA] =	sst s3  }
0xc: {  	[smem:$0x3FAB] =	sst s4  }
0xd: {  	[smem:$0x3FAC] =	sst s5  }
0xe: {  	[smem:$0x3FAD] =	sst s6  }
0xf: {  	[smem:$0x3FAE] =	sst s7  }
0x10: {  	[smem:$0x3FAF] =	sst s8  }
0x11: {  	[smem:$0x3FB0] =	sst s9;
	s0 =	simm.s32 @!p0 $0x0  }
0x12: {  	s1 =	sld [smem:$0x3F96];
	s0 =	simm.s32 @p0 $0x1  }
0x13: {  	[smem:$0x3FB1] =	sst s0;
	s0 =	simm.s32 @!p1 $0x0  }
0x14: {  	s2 =	sld [smem:$0x3F95];
	s0 =	simm.s32 @p1 $0x1  }
0x15: {  	[smem:$0x3FB2] =	sst s0;
	s0 =	simm.s32 @!p2 $0x0  }
0x16: {  	s3 =	sld [smem:$0x3FDB];
	s0 =	simm.s32 @p2 $0x1  }
0x17: {  	s4 =	simm.s32 $0x1BF5;
	[smem:$0x3FB4] =	sst s0  }
0x18: {  	s0 =	sld [smem:$0x3F97];
	_ =	swait.ge [sflag:s4], $0x0  }
0x19: {  	s7 =	sld [smem:$0x3F98]  }
0x1a: {  	s8 =	sadd.s32 $0xFFFFE003, lr  }
0x1b: {  	s9 =	sadd.s32 $0xFFFFFEF7, lr;
	s5 =	simm.s32 $0xFFFFFFFF;
	p2 =	slt.u32 s8, $0xFFFFF086  }
0x1c: {  	p1 =	slt.u32 s9, $0xF7A;
	s5 =	simm.s32 @!p2 $0x0  }
0x1d: {  	s5 =	simm.s32 @p1 $0x1;
	p0 =	seq.s32 s7, s2  }
0x1e: {  	s7 =	smul.u32 @!p0 $0xF7A, s2;
	p2 =	seq.s32 @!p0 s5, $0x0  }
0x1f: {  	s9 =	smul.u32 $0xF7A, s1;
	s8 =	simm.s32 @!p0 $0x1BF5;
	p2 =	por !p2, p0  }
0x20: {  	[sflag:s8] =	ssyncset.s32 @!p0 $0xFFFFF086;
	s6 =	sadd.s32 @!p0 s3, s7;
	s7 =	simm.s32 @!p0 $0x108  }
0x21: {  	s3 =	sadd.s32 s3, s9;
	s6 =	sadd.s32 @!p0 $0x88, s6;
	s7 =	simm.s32 @p2 $0x1082  }
0x22: {  	[simem:s7], [sflag:s8] =	dma.local @!p0 [hbm:s6], $0xF7A  }
0x23: {  	s9 =	sor.u32 $0xD0000000, s2;
	s6 =	simm.s32 $0x108;
	_ =	swait.ge @!p0 [sflag:s8], $0x0  }
0x24: {  	s3 =	sadd.s32 $0x88, s3;
	s6 =	simm.s32 @!p1 $0x1082;
	[sflag:s4] =	ssyncset.s32 $0xFFFFF086  }
0x25: {  	[simem:s6], [sflag:s4] =	dma.local [hbm:s3], $0xF7A  }
0x26: {  	[smem:$0x3F98] =	sst s1;
	(tag) =	ssettag s2;
	_ =	strace s9  }
0x27: {  	s1 =	sld [smem:$0x3FA8]  }
0x28: {  	s2 =	sld [smem:$0x3FA9]  }
0x29: {  	s4 =	sld [smem:$0x3FAB]  }
0x2a: {  	p0 =	seq.s32 s5, $0x0;
	s5 =	sld [smem:$0x3FAC]  }
0x2b: {  	s6 =	sld [smem:$0x3FAD]  }
0x2c: {  	s7 =	sld [smem:$0x3FAE]  }
0x2d: {  	s3 =	simm.s32 $0x108;
	s8 =	sld [smem:$0x3FAF]  }
0x2e: {  	s3 =	simm.s32 @!p0 $0x1082;
	s9 =	sld [smem:$0x3FB0]  }
0x2f: {  	lr =	sadd.s32 s0, s3;
	s0 =	sld [smem:$0x3FA7]  }
0x30: {  	s3 =	sld [smem:$0x3FAA]  }
0x31: {  	[smem:$0x3FB3] =	sst s10  }
0x32: {  	s10 =	sld [smem:$0x3FB1];
	_ =	sdelay $0x3  }
0x33: {  	p0 =	seq.s32 s10, $0x1;
	s10 =	sld [smem:$0x3FB3];
	_ =	sdelay $0x3  }
0x34: {  	[smem:$0x3FB3] =	sst s10  }
0x35: {  	s10 =	sld [smem:$0x3FB2];
	_ =	sdelay $0x3  }
0x36: {  	p1 =	seq.s32 s10, $0x1;
	s10 =	sld [smem:$0x3FB3];
	_ =	sdelay $0x3  }
0x37: {  	[smem:$0x3FB3] =	sst s10  }
0x38: {  	s10 =	sld [smem:$0x3FB4]  }
0x39: {  	_ = 	snop;
	(pc) =	sbr.ind lr, $3  }
0x3a: {  	_ = 	snop  }
0x3b: {  	_ = 	snop  }
0x3c: {  	p2 =	seq.s32 s10, $0x1;
	s10 =	sld [smem:$0x3FB3]  }
0x3d: {  	_ =	shalt  }
0x3e: {  	_ =	shalt  }
0x3f: {  	_ =	shalt  }
0x40: {  	_ =	shalt  }
0x41: {  	_ =	shalt  }
0x42: {  	_ =	shalt  }
0x43: {  	_ =	shalt  }
0x44: {  	_ =	shalt  }
0x45: {  	_ =	shalt  }
0x46: {  	_ =	shalt  }
0x47: {  	_ =	shalt  }
0x48: {  	_ =	shalt  }
0x49: {  	_ =	shalt  }
0x4a: {  	_ =	shalt  }
0x4b: {  	_ =	shalt  }
0x4c: {  	_ =	shalt  }
0x4d: {  	_ =	shalt  }
0x4e: {  	_ =	shalt  }
0x4f: {  	_ =	shalt  }
0x50: {  	_ =	shalt  }
0x51: {  	_ =	shalt  }
0x52: {  	_ =	shalt  }
0x53: {  	_ =	shalt  }
0x54: {  	_ =	shalt  }
0x55: {  	_ =	shalt  }
0x56: {  	_ =	shalt  }
0x57: {  	_ =	shalt  }
0x58: {  	_ =	shalt  }
0x59: {  	_ =	shalt  }
0x5a: {  	_ =	shalt  }
0x5b: {  	_ =	shalt  }
0x5c: {  	_ =	shalt  }
0x5d: {  	_ =	shalt  }
0x5e: {  	_ =	shalt  }
0x5f: {  	_ =	shalt  }
0x60: {  	_ =	shalt  }
0x61: {  	_ =	shalt  }
0x62: {  	_ =	shalt  }
0x63: {  	_ =	shalt  }
0x64: {  	_ =	shalt  }
0x65: {  	_ =	shalt  }
0x66: {  	_ =	shalt  }
0x67: {  	_ =	shalt  }
0x68: {  	_ =	shalt  }
0x69: {  	_ =	shalt  }
0x6a: {  	_ =	shalt  }
0x6b: {  	_ =	shalt  }
0x6c: {  	_ =	shalt  }
0x6d: {  	_ =	shalt  }
0x6e: {  	_ =	shalt  }
0x6f: {  	_ =	shalt  }
0x70: {  	_ =	shalt  }
0x71: {  	_ =	shalt  }
0x72: {  	_ =	shalt  }
0x73: {  	_ =	shalt  }
0x74: {  	_ =	shalt  }
0x75: {  	_ =	shalt  }
0x76: {  	_ =	shalt  }
0x77: {  	_ =	shalt  }
0x78: {  	_ =	shalt  }
0x79: {  	_ =	shalt  }
0x7a: {  	_ =	shalt  }
0x7b: {  	_ =	shalt  }
0x7c: {  	_ =	shalt  }
0x7d: {  	_ =	shalt  }
0x7e: {  	_ =	shalt  }
0x7f: {  	_ =	shalt  }
0x80: {  	_ =	shalt  }
0x81: {  	_ =	shalt  }
0x82: {  	_ =	shalt  }
0x83: {  	_ =	shalt  }
0x84: {  	_ =	shalt  }
0x85: {  	_ =	shalt  }
0x86: {  	_ =	shalt  }
0x87: {  	_ =	shalt  }
.Lfunc_end0:
.L_simem_size_0:
called_computation_lowered:
.L_overlay_start_0:
0x88: {  	s2 =	sld [smem:$0x3FD9]  }
0x89: {  	s3 =	sld [smem:$0x3FFE];
	_ =	sdelay $0x1  }
0x8a: {  	s1 =	srdreg.scid  }
0x8b: {  	s0 =	sand.u32 $0x1, s1  }
0x8c: {  	s17 =	sshll.u32 s0, $0xA;
	s2 =	sadd.s32 s3, s2  }
0x8d: {  	s2 =	sadd.s32 s2, s17  }
0x8e: {  	[smem:$0x3FBF] =	sst s2  }
0x8f: {  	_ = 	snop  }
0x90: {  	s2 =	sld [smem:$0x3FC9];
	(tm) =	ssettm $0x1  }
0x91: {  	s18 =	sld [smem:$0x3FFB];
	_ =	sdelay $0x3  }
0x92: {  	_ =	strace s18  }
0x93: {  	s3 =	sld [smem:$0x3FFC];
	_ =	sdelay $0x3  }
0x94: {  	_ =	strace s3  }
0x95: {  	s3 =	sld [smem:$0x3FFD];
	_ =	sdelay $0x3  }
0x96: {  	_ =	strace s3  }
0x97: {  	_ =	strace $0x8FFFFFFF  }
0x98: {  	s19 =	sld [smem:$0x3FDB];
	_ =	sdelay $0x1  }
0x99: {  	s4 =	simm.s32 $_scs_section_size  }
0x9a: {  	s5 =	simm.s32 $_size__tile_overlayer_lowered;
	s6 =	simm.s32 $_tile_overlayer_lowered  }
0x9b: {  	s22 =	simm.s32 $0x1BFF;
	s21 =	sshll.u32 s6, $0x1;
	s3 =	sadd.s32 s4, s19  }
0x9c: {  	s7 =	simm.s32 $0x0;
	s20 =	sshll.u32 s5, $0x1;
	s5 =	sadd.s32 s21, s3  }
0x9d: {  	[timem:s7], [sflag:s22] =	dma.local [hbm:s5], s20  }
0x9e: {  	_ =	swait.ge [sflag:s22], s20  }
0x9f: {  	s4 =	ssub.s32 $0x0, s20;
	[sflag:s22] =	ssyncset.done $0x0  }
0xa0: {  	[sflag:s22] =	ssyncadd.s32 s4;
	_ =	sdelay $0x1  }
0xa1: {  	s23 =	simm.s32 $0x1B8B  }
0xa2: {  	_ =	swait.ge [sflag:s23], $0x1  }
0xa3: {  	[sflag:s23] =	ssyncset.done $0x0  }
0xa4: {  	s25 =	simm.s32 $0x1B8E;
	s24 =	sld [smem:$0x3FFE];
	[sflag:s23] =	ssyncadd.s32 $0xFFFFFFFF  }
0xa5: {  	s26 =	simm.s32 $execute0_lowered;
	[smem:$0x3FD2] =	sst s25  }
0xa6: {  	s5 =	sshll.u32 s26, $0x1;
	_ =	strace $0x80000046;
	[dreg:$0x1] =	wrdreg $0xFFFFFFFF  }
0xa7: {  	s28 =	simm.s32 $_size_execute0_lowered;
	s3 =	sadd.s32 s3, s5;
	[dreg:$0x0] =	wrdreg $0x0  }
0xa8: {  	s5 =	sshll.u32 s28, $0x1;
	[dreg:$0x2] =	wrdreg s3  }
0xa9: {  	[dreg:$0x3] =	wrdreg s5  }
0xaa: {  	[dreg:$0x4] =	wrdreg $0xC0  }
0xab: {  	_ =	task [dreg:s7], $0x5FFFF  }
0xac: {  	[dreg:$0x1] =	wrdreg $0xFFFFFFFF  }
0xad: {  	[dreg:$0x0] =	wrdreg $0x60  }
0xae: {  	[dreg:$0x2] =	wrdreg s2  }
0xaf: {  	[dreg:$0x3] =	wrdreg s24  }
0xb0: {  	[dreg:$0x4] =	wrdreg $0x8CA00  }
0xb1: {  	[dreg:$0x5] =	wrdreg $0x1C5200  }
0xb2: {  	[dreg:$0x6] =	wrdreg $0x9  }
0xb3: {  	_ =	task.clear_ibuf [dreg:s7], $0x7FFFF;
	_ =	strace $0x90000046  }
0xb4: {  	s29 =	simm.s32 $0x9;
	_ =	strace $0x80000048  }
0xb5: {  	_ =	swait.ge [sflag:s29], $0x1  }
0xb6: {  	[sflag:s29] =	ssyncadd.s32 $0xFFFFFFFF  }
0xb7: {  	_ =	strace $0x90000048  }
0xb8: {  	_ =	sfence  }
0xb9: {  	s30 =	sld [smem:$0x0];
	_ =	sdelay $0x2  }
0xba: {  	s31 =	sshll.u32 s1, $0xD;
	s1 =	sshrl.u32 s1, $0x2  }
0xbb: {  	s3 =	sand.u32 $0x4000, s31;
	s1 =	sadd.s32 s1, s30  }
0xbc: {  	s0 =	sor.u32 s3, s0;
	s1 =	sshll.u32 s1, $0x11  }
0xbd: {  	s0 =	sor.u32 s1, s0  }
0xbe: {  	s0 =	sadd.s32 $0x8F2B, s0  }
0xbf: {  	[sflag:s0] =	ssyncadd.remote.s32 $0x1  }
0xc0: {  	_ =	sfence.sel $0xFFFF  }
0xc1: {  	[dreg:$0x0] =	wrdreg $0xFFFFFFFF;
	(pc) =	sbr.abs _section_cstart, $3  }
0xc2: {  	[dreg:$0x1] =	wrdreg $0xFFFFFFFF  }
0xc3: {  	_ =	task.clear_ibuf [dreg:s7], $0x2FFFF;
	_ =	strace $0x9FFFFFFF  }
0xc4: {  	(tm) =	ssettm $0x7FFFFFFF  }
0xc5: {  	_ =	shalt  }
tec
execute0_lowered:
.L_overlay_start_1:
0x0: {  	(tag) =	ssettag $0x1  }
0x1: {  	s1 =	rddreg [dreg:$0x0]  }
0x2: {  	s10 =	rddreg [dreg:$0x1]  }
0x3: {  	s0 =	srdreg.scid;
	s3 =	rddreg [dreg:$0x2]  }
0x4: {  	s30 =	stileid.u32;
	s4 =	rddreg [dreg:$0x3];
	s5 =	simm.s32 $0x0  }
0x5: {  	s20 =	simm.s32 $0x32;
	s21 =	simm.s32 $0x5780;
	s22 =	simm.s32 $0x7080  }
0x6: {  	s23 =	simm.s32 $0x1;
	s24 =	simm.s32 $0x2;
	s25 =	simm.s32 $0x2B88  }
0x7: {  	s26 =	simm.s32 $0x5710;
	s28 =	simm.s32 $0x5748;
	s29 =	simm.s32 $0x0  }
0x8: {  	s9 =	sand.u32 $0x1, s0;
	s11 =	smul.u32 $0x13880, s30;
	[smem:$0x7FF] =	sst s5  }
0x9: {  	s13 =	smul.u32 $0x2710, s30;
	s7 =	sadd.s32 $0x17E00, s10;
	s8 =	sadd.s32 $0x1AC00, s10  }
0xa: {  	s17 =	sshll.u32 s30, $0x6;
	s2 =	sshll.u32 s9, $0x4;
	s12 =	smul.u32 $0x138800, s9  }
0xb: {  	_ =	strace $0x80000047;
	s14 =	smul.u32 $0x27100, s9;
	s9 =	ssub.s32 $0x2, s9  }
0xc: {  	s17 =	sor.u32 $0x1C03, s17;
	s2 =	sor.u32 s30, s2;
	s31 =	sshrl.u32 s9, $0x1  }
0xd: {  	s18 =	sadd.s32 s11, s3;
	s19 =	sadd.s32 s13, s4;
	s6 =	smul.u32 $0x578, s2  }
0xe: {  	s12 =	sadd.s32 s11, s12;
	s14 =	sadd.s32 s13, s14;
	s16 =	ssub.s32 s9, s31  }
0xf: {  	s18 =	sshrl.u32 s18, $0x3;
	s19 =	sshrl.u32 s19, $0x3;
	s12 =	sshrl.u32 s12, $0x3  }
0x10: {  	s14 =	sshrl.u32 s14, $0x3;
	s13 =	smax.u32 s16, $0x1;
	s16 =	simm.s32 $0x8980  }
0x11: {  	s15 =	sadd.s32 s6, s10;
	s6 =	sadd.s32 $0x18400, s10;
	s12 =	sadd.s32 s12, s10  }
0x12: {  	s14 =	sadd.s32 s14, s10;
	s9 =	sadd.s32 $0xCE00, s15;
	s10 =	sadd.s32 $0x1E00, s15  }
0x13: {  	s11 =	sadd.s32 $0x24C00, s12;
	s12 =	sadd.s32 $0x1AE00, s14;
	s14 =	simm.s32 $0x3  }
.LBB2_1:
0x14: {  	[tilespmem:s5], [sflag:$0x3] =	stream.linear.gather [hbm4b:s9+s5], $0x2BC0, $0x38;
	[tilespmem:$0x1EC30] =	vst v63  }
0x15: {  	_ =	swait.ge [sflag:s14], $0x2BC0  }
0x16: {  	[sflag:s14] =	ssyncset.done $0x0  }
0x17: {  	s0 =	simm.s32 $0x2BC0;
	[sflag:s14] =	ssyncadd.s32 $0xFFFFD440  }
0x18: {  	[tilespmem:s0], [sflag:$0x3] =	stream.linear.gather [hbm4b:s10+s5], $0x2BC0, $0x38;
	[tilespmem:$0x1EC30] =	vst v63  }
0x19: {  	_ =	swait.ge [sflag:s14], $0x2BC0  }
0x1a: {  	[sflag:s14] =	ssyncset.done $0x0  }
0x1b: {  	[sflag:s14] =	ssyncadd.s32 $0xFFFFD440  }
0x1c: {  	[tilespmem:s16], [sflag:$0x3] =	stream.linear.gather [hbm4b:s8+s5], $0x320, $0x38;
	[tilespmem:$0x1EC30] =	vst v63  }
0x1d: {  	_ =	swait.ge [sflag:s14], $0x320  }
0x1e: {  	[sflag:s14] =	ssyncset.done $0x0  }
0x1f: {  	[sflag:s14] =	ssyncadd.s32 $0xFFFFFCE0  }
0x20: {  	[spmem:s18], [sflag:s17] =	dma.local [hbm:s6], $0x2710  }
0x21: {  	_ =	swait.ge [sflag:s14], $0x2710  }
0x22: {  	[sflag:s14] =	ssyncset.done $0x0  }
0x23: {  	[sflag:s14] =	ssyncadd.s32 $0xFFFFD8F0  }
0x24: {  	[spmem:s19], [sflag:s17] =	dma.local [hbm:s7], $0x4E2  }
0x25: {  	_ =	swait.ge [sflag:s14], $0x4E2  }
0x26: {  	[sflag:s14] =	ssyncset.done $0x0  }
0x27: {  	[sflag:s14] =	ssyncadd.s32 $0xFFFFFB1E  }
0x28: {  	[bflag:$0x0] =	sbarrier.arrive $0xFFFF  }
0x29: {  	[tilespmem:s21], [sflag:$0x1] =	stream.indirect.gather [hbm4b:s1+s20], $0x80, s5, s20, $0xb8;
	[tilespmem:$0x1EC30] =	vst v63  }
0x2a: {  	s30 =	simm.s32 $0x38  }
0x2b: {  	[tilespmem:s22], [sflag:$0x2] =	stream.indirect.gather [hbm4b:s1+s20], $0x80, s30, s20, $0xb8;
	[tilespmem:$0x1EC30] =	vst v63  }
0x2c: {  	_ =	swait.ge [sflag:s23], $0x1900  }
0x2d: {  	[sflag:s23] =	ssyncset.done $0x0  }
0x2e: {  	s30 =	simm.s32 $0x2BC0;
	[sflag:s23] =	ssyncadd.s32 $0xFFFFE700  }
0x2f: {  	[spmem:s3] =	stream.indirect.scatter.add.f32 [tilespmem:s21], [sflag:$0x3], $0x80, s30, s20, $0xb8;
	[tilespmem:$0x1EC30] =	vst v63  }
0x30: {  	_ =	swait.ge [sflag:s14], $0x1900  }
0x31: {  	[sflag:s14] =	ssyncset.done $0x0  }
0x32: {  	[sflag:s14] =	ssyncadd.s32 $0xFFFFE700  }
0x33: {  	[spmem:s4] =	stream.indirect.scatter.add.f32 [tilespmem:s16], [sflag:$0x3], $0x10, s30, s20, $0xb8;
	[tilespmem:$0x1EC30] =	vst v63  }
0x34: {  	_ =	swait.ge [sflag:s14], $0x320  }
0x35: {  	[sflag:s14] =	ssyncset.done $0x0  }
0x36: {  	s30 =	simm.s32 $0x70;
	[sflag:s14] =	ssyncadd.s32 $0xFFFFFCE0  }
0x37: {  	[tilespmem:s21], [sflag:$0x1] =	stream.indirect.gather [hbm4b:s1+s20], $0x80, s30, s20, $0xb8;
	[tilespmem:$0x1EC30] =	vst v63  }
0x38: {  	_ =	swait.ge [sflag:s24], $0x1900  }
0x39: {  	[sflag:s24] =	ssyncset.done $0x0  }
0x3a: {  	s30 =	simm.s32 $0x2BF8;
	[sflag:s24] =	ssyncadd.s32 $0xFFFFE700  }
0x3b: {  	[spmem:s3] =	stream.indirect.scatter.add.f32 [tilespmem:s22], [sflag:$0x3], $0x80, s30, s20, $0xb8;
	[tilespmem:$0x1EC30] =	vst v63  }
0x3c: {  	_ =	swait.ge [sflag:s14], $0x1900  }
0x3d: {  	[sflag:s14] =	ssyncset.done $0x0  }
0x3e: {  	[sflag:s14] =	ssyncadd.s32 $0xFFFFE700  }
0x3f: {  	[spmem:s4] =	stream.indirect.scatter.add.f32 [tilespmem:s16], [sflag:$0x3], $0x10, s30, s20, $0xb8;
	[tilespmem:$0x1EC30] =	vst v63  }
0x40: {  	_ =	swait.ge [sflag:s14], $0x320  }
0x41: {  	s31 =	simm.s32 $0x380;
	s30 =	simm.s32 $0x70;
	[sflag:s14] =	ssyncset.done $0x0  }
.LBB2_2:
0x42: {  	s2 =	sadd.s32 $0x38, s30  }
0x43: {  	[sflag:s14] =	ssyncadd.s32 $0xFFFFFCE0;
	s0 =	smov.u32 s31;
	s15 =	sadd.s32 $0x1C0, s31  }
0x44: {  	[tilespmem:s22], [sflag:$0x2] =	stream.indirect.gather [hbm4b:s1+s20], $0x80, s2, s20, $0xb8;
	[tilespmem:$0x1EC30] =	vst v63  }
0x45: {  	p0 =	sne.s32 s31, $0xAB80;
	_ =	swait.ge [sflag:s23], $0x1900  }
0x46: {  	[sflag:s23] =	ssyncset.done $0x0  }
0x47: {  	s2 =	sadd.s32 $0x2BC0, s30;
	[sflag:s23] =	ssyncadd.s32 $0xFFFFE700  }
0x48: {  	[spmem:s3] =	stream.indirect.scatter.add.f32 [tilespmem:s21], [sflag:$0x3], $0x80, s2, s20, $0xb8;
	[tilespmem:$0x1EC30] =	vst v63  }
0x49: {  	_ =	swait.ge [sflag:s14], $0x1900  }
0x4a: {  	[sflag:s14] =	ssyncset.done $0x0  }
0x4b: {  	[sflag:s14] =	ssyncadd.s32 $0xFFFFE700  }
0x4c: {  	[spmem:s4] =	stream.indirect.scatter.add.f32 [tilespmem:s16], [sflag:$0x3], $0x10, s2, s20, $0xb8;
	[tilespmem:$0x1EC30] =	vst v63  }
0x4d: {  	_ =	swait.ge [sflag:s14], $0x320  }
0x4e: {  	[sflag:s14] =	ssyncset.done $0x0  }
0x4f: {  	s2 =	sadd.s32 $0x70, s30;
	[sflag:s14] =	ssyncadd.s32 $0xFFFFFCE0  }
0x50: {  	[tilespmem:s21], [sflag:$0x1] =	stream.indirect.gather [hbm4b:s1+s20], $0x80, s2, s20, $0xb8;
	[tilespmem:$0x1EC30] =	vst v63  }
0x51: {  	_ =	swait.ge [sflag:s24], $0x1900  }
0x52: {  	[sflag:s24] =	ssyncset.done $0x0  }
0x53: {  	s2 =	sadd.s32 $0x2BF8, s30;
	[sflag:s24] =	ssyncadd.s32 $0xFFFFE700  }
0x54: {  	[spmem:s3] =	stream.indirect.scatter.add.f32 [tilespmem:s22], [sflag:$0x3], $0x80, s2, s20, $0xb8;
	[tilespmem:$0x1EC30] =	vst v63  }
0x55: {  	_ =	swait.ge [sflag:s14], $0x1900  }
.Ltmp0:
0x56: {  	[sflag:s14] =	ssyncset.done $0x0;
	(pc) =	sbr.rel @p0 .LBB2_2-.Ltmp0, $4  }
0x57: {  	[sflag:s14] =	ssyncadd.s32 $0xFFFFE700  }
0x58: {  	[spmem:s4] =	stream.indirect.scatter.add.f32 [tilespmem:s16], [sflag:$0x3], $0x10, s2, s20, $0xb8;
	[tilespmem:$0x1EC30] =	vst v63  }
0x59: {  	_ =	swait.ge [sflag:s14], $0x320  }
0x5a: {  	s31 =	smov.u32 s15;
	s30 =	sshra.s32 s0, $0x2;
	[sflag:s14] =	ssyncset.done $0x0  }
0x5b: {  	s0 =	sadd.s32 $0x38, s30;
	[sflag:s14] =	ssyncadd.s32 $0xFFFFFCE0  }
0x5c: {  	[tilespmem:s22], [sflag:$0x2] =	stream.indirect.gather [hbm4b:s1+s20], $0x80, s0, s20, $0xb8;
	[tilespmem:$0x1EC30] =	vst v63  }
0x5d: {  	_ =	swait.ge [sflag:s23], $0x1900  }
0x5e: {  	[sflag:s23] =	ssyncset.done $0x0  }
0x5f: {  	s2 =	sadd.s32 $0x2BC0, s30;
	[sflag:s23] =	ssyncadd.s32 $0xFFFFE700  }
0x60: {  	[spmem:s3] =	stream.indirect.scatter.add.f32 [tilespmem:s21], [sflag:$0x3], $0x80, s2, s20, $0xb8;
	[tilespmem:$0x1EC30] =	vst v63  }
0x61: {  	_ =	swait.ge [sflag:s14], $0x1900  }
0x62: {  	[sflag:s14] =	ssyncset.done $0x0  }
0x63: {  	[sflag:s14] =	ssyncadd.s32 $0xFFFFE700  }
0x64: {  	[spmem:s4] =	stream.indirect.scatter.add.f32 [tilespmem:s16], [sflag:$0x3], $0x10, s2, s20, $0xb8;
	[tilespmem:$0x1EC30] =	vst v63  }
0x65: {  	_ =	swait.ge [sflag:s14], $0x320  }
0x66: {  	[sflag:s14] =	ssyncset.done $0x0  }
0x67: {  	s15 =	sadd.s32 $0x70, s30;
	[sflag:s14] =	ssyncadd.s32 $0xFFFFFCE0  }
0x68: {  	[tilespmem:s21], [sflag:$0x1] =	stream.indirect.gather [hbm4b:s1+s20], $0x80, s15, s20, $0xb8;
	[tilespmem:$0x1EC30] =	vst v63  }
0x69: {  	_ =	swait.ge [sflag:s24], $0x1900  }
0x6a: {  	[sflag:s24] =	ssyncset.done $0x0  }
0x6b: {  	s31 =	sadd.s32 $0x2BF8, s30;
	[sflag:s24] =	ssyncadd.s32 $0xFFFFE700  }
0x6c: {  	[spmem:s3] =	stream.indirect.scatter.add.f32 [tilespmem:s22], [sflag:$0x3], $0x80, s31, s20, $0xb8;
	[tilespmem:$0x1EC30] =	vst v63  }
0x6d: {  	_ =	swait.ge [sflag:s14], $0x1900  }
0x6e: {  	[sflag:s14] =	ssyncset.done $0x0  }
0x6f: {  	[sflag:s14] =	ssyncadd.s32 $0xFFFFE700  }
0x70: {  	[spmem:s4] =	stream.indirect.scatter.add.f32 [tilespmem:s16], [sflag:$0x3], $0x10, s31, s20, $0xb8;
	[tilespmem:$0x1EC30] =	vst v63  }
0x71: {  	_ =	swait.ge [sflag:s14], $0x320  }
0x72: {  	[sflag:s14] =	ssyncset.done $0x0  }
0x73: {  	[sflag:s14] =	ssyncadd.s32 $0xFFFFFCE0  }
0x74: {  	[tilespmem:s22], [sflag:$0x2] =	stream.indirect.gather [hbm4b:s1+s20], $0x80, s25, s20, $0xb8;
	[tilespmem:$0x1EC30] =	vst v63  }
0x75: {  	_ =	swait.ge [sflag:s23], $0x1900  }
0x76: {  	[sflag:s23] =	ssyncset.done $0x0  }
0x77: {  	[sflag:s23] =	ssyncadd.s32 $0xFFFFE700  }
0x78: {  	[spmem:s3] =	stream.indirect.scatter.add.f32 [tilespmem:s21], [sflag:$0x3], $0x80, s26, s20, $0xb8;
	[tilespmem:$0x1EC30] =	vst v63  }
0x79: {  	_ =	swait.ge [sflag:s14], $0x1900  }
0x7a: {  	[sflag:s14] =	ssyncset.done $0x0  }
0x7b: {  	[sflag:s14] =	ssyncadd.s32 $0xFFFFE700  }
0x7c: {  	[spmem:s4] =	stream.indirect.scatter.add.f32 [tilespmem:s16], [sflag:$0x3], $0x10, s26, s20, $0xb8;
	[tilespmem:$0x1EC30] =	vst v63  }
0x7d: {  	_ =	swait.ge [sflag:s14], $0x320  }
0x7e: {  	[sflag:s14] =	ssyncset.done $0x0  }
0x7f: {  	[sflag:s14] =	ssyncadd.s32 $0xFFFFFCE0  }
0x80: {  	_ =	swait.ge [sflag:s24], $0x1900  }
0x81: {  	[sflag:s24] =	ssyncset.done $0x0  }
0x82: {  	[sflag:s24] =	ssyncadd.s32 $0xFFFFE700  }
0x83: {  	[spmem:s3] =	stream.indirect.scatter.add.f32 [tilespmem:s22], [sflag:$0x3], $0x80, s28, s20, $0xb8;
	[tilespmem:$0x1EC30] =	vst v63  }
0x84: {  	_ =	swait.ge [sflag:s14], $0x1900  }
0x85: {  	[sflag:s14] =	ssyncset.done $0x0  }
0x86: {  	[sflag:s14] =	ssyncadd.s32 $0xFFFFE700  }
0x87: {  	[spmem:s4] =	stream.indirect.scatter.add.f32 [tilespmem:s16], [sflag:$0x3], $0x10, s28, s20, $0xb8;
	[tilespmem:$0x1EC30] =	vst v63  }
0x88: {  	_ =	swait.ge [sflag:s14], $0x320  }
0x89: {  	[sflag:s14] =	ssyncset.done $0x0  }
0x8a: {  	[sflag:s14] =	ssyncadd.s32 $0xFFFFFCE0  }
0x8b: {  	[bflag:$0x0] =	sbarrier.arrive $0xFFFF  }
0x8c: {  	[hbm:s11], [sflag:s17] =	dma.local [spmem:s18], $0x2710  }
0x8d: {  	s29 =	sadd.s32 $0x1, s29;
	_ =	swait.ge [sflag:s14], $0x2710  }
0x8e: {  	p0 =	sne.s32 s29, s13;
	[sflag:s14] =	ssyncset.done $0x0  }
.Ltmp1:
0x8f: {  	[sflag:s14] =	ssyncadd.s32 $0xFFFFD8F0;
	(pc) =	sbr.rel @p0 .LBB2_1-.Ltmp1, $4  }
0x90: {  	[hbm:s12], [sflag:s17] =	dma.local [spmem:s19], $0x4E2  }
0x91: {  	_ =	swait.ge [sflag:s14], $0x4E2  }
0x92: {  	[sflag:s14] =	ssyncset.done $0x0  }
0x93: {  	[sflag:s14] =	ssyncadd.s32 $0xFFFFFB1E  }
0x94: {  	_ =	sfence.sel $0x180000  }
0x95: {  	[bflag:$0x0] =	sbarrier.arrive $0xFFFF  }
0x96: {  	_ =	strace $0x90000047  }
0x97: {  	s0 =	stileid.u32;
	[bflag:$0x2] =	sbarrier.arrive $0xFFFF  }
0x98: {  	p0 =	sne.s32 s0, $0x0;
	s0 =	rddreg [dreg:$0x4]  }
0x99: {  	s0 =	sadd.s32 @!p0 $0x100000, s0  }
0x9a: {  	[sflag:s0] =	ssyncadd.tile.s32 @!p0 $0x1;
	_ =	shalt  }
.Lfunc_end2:
_tile_overlayer_lowered:
.L_overlay_start_2:
0x9b: {  	(tag) =	ssettag $0x2  }
0x9c: {  	s0 =	rddreg [dreg:$0x0];
	s2 =	stileid.u32  }
0x9d: {  	s1 =	rddreg [dreg:$0x1];
	p0 =	sne.s32 s2, $0x0  }
0x9e: {  	s3 =	rddreg [dreg:$0x2];
	[bflag:$0x3] =	sbarrier.arrive $0xFFFF;
	s2 =	simm.s32 @!p0 $0x1C03  }
0x9f: {  	[timem:s3], [sflag:s2] =	dma.local @!p0 [hbm:s0], s1  }
0xa0: {  	s0 =	simm.s32 @!p0 $0x3  }
0xa1: {  	_ =	swait.ge @!p0 [sflag:s0], s1  }
0xa2: {  	s1 =	ssub.s32 @!p0 $0x0, s1;
	[sflag:s0] =	ssyncset.done @!p0 $0x0  }
0xa3: {  	[sflag:s0] =	ssyncadd.s32 @!p0 s1  }
0xa4: {  	[bflag:$0x3] =	sbarrier.arrive $0xFFFF  }
0xa5: {  	_ =	shalt  }

// kernel: kernel.9.cloned.1.call-start
scs
__scs_entry_jumppad:
0x0: {  	(pc) =	sbr.rel $0x88, $3  }
0x1: {  	(tag) =	ssettag $0x0;
	lr =	simm.s32 $0x1  }
0x2: {  	[smem:$0x3F98] =	sst lr;
	_ =	strace $0xD0000000  }
0x3: {  	_ = 	snop  }
0x4: {  	_ = 	snop  }
0x5: {  	_ = 	snop  }
0x6: {  	_ = 	snop  }
0x7: {  	_ = 	snop  }
__scs_overlays_trampoline_lowered:
0x8: {  	[smem:$0x3FA7] =	sst s0  }
0x9: {  	[smem:$0x3FA8] =	sst s1  }
0xa: {  	[smem:$0x3FA9] =	sst s2  }
0xb: {  	[smem:$0x3FAA] =	sst s3  }
0xc: {  	[smem:$0x3FAB] =	sst s4  }
0xd: {  	[smem:$0x3FAC] =	sst s5  }
0xe: {  	[smem:$0x3FAD] =	sst s6  }
0xf: {  	[smem:$0x3FAE] =	sst s7  }
0x10: {  	[smem:$0x3FAF] =	sst s8  }
0x11: {  	[smem:$0x3FB0] =	sst s9;
	s0 =	simm.s32 @!p0 $0x0  }
0x12: {  	s1 =	sld [smem:$0x3F96];
	s0 =	simm.s32 @p0 $0x1  }
0x13: {  	[smem:$0x3FB1] =	sst s0;
	s0 =	simm.s32 @!p1 $0x0  }
0x14: {  	s2 =	sld [smem:$0x3F95];
	s0 =	simm.s32 @p1 $0x1  }
0x15: {  	[smem:$0x3FB2] =	sst s0;
	s0 =	simm.s32 @!p2 $0x0  }
0x16: {  	s3 =	sld [smem:$0x3FDB];
	s0 =	simm.s32 @p2 $0x1  }
0x17: {  	s4 =	simm.s32 $0x1BF5;
	[smem:$0x3FB4] =	sst s0  }
0x18: {  	s0 =	sld [smem:$0x3F97];
	_ =	swait.ge [sflag:s4], $0x0  }
0x19: {  	s7 =	sld [smem:$0x3F98]  }
0x1a: {  	s8 =	sadd.s32 $0xFFFFE003, lr  }
0x1b: {  	s9 =	sadd.s32 $0xFFFFFEF7, lr;
	s5 =	simm.s32 $0xFFFFFFFF;
	p2 =	slt.u32 s8, $0xFFFFF086  }
0x1c: {  	p1 =	slt.u32 s9, $0xF7A;
	s5 =	simm.s32 @!p2 $0x0  }
0x1d: {  	s5 =	simm.s32 @p1 $0x1;
	p0 =	seq.s32 s7, s2  }
0x1e: {  	s7 =	smul.u32 @!p0 $0xF7A, s2;
	p2 =	seq.s32 @!p0 s5, $0x0  }
0x1f: {  	s9 =	smul.u32 $0xF7A, s1;
	s8 =	simm.s32 @!p0 $0x1BF5;
	p2 =	por !p2, p0  }
0x20: {  	[sflag:s8] =	ssyncset.s32 @!p0 $0xFFFFF086;
	s6 =	sadd.s32 @!p0 s3, s7;
	s7 =	simm.s32 @!p0 $0x108  }
0x21: {  	s3 =	sadd.s32 s3, s9;
	s6 =	sadd.s32 @!p0 $0x88, s6;
	s7 =	simm.s32 @p2 $0x1082  }
0x22: {  	[simem:s7], [sflag:s8] =	dma.local @!p0 [hbm:s6], $0xF7A  }
0x23: {  	s9 =	sor.u32 $0xD0000000, s2;
	s6 =	simm.s32 $0x108;
	_ =	swait.ge @!p0 [sflag:s8], $0x0  }
0x24: {  	s3 =	sadd.s32 $0x88, s3;
	s6 =	simm.s32 @!p1 $0x1082;
	[sflag:s4] =	ssyncset.s32 $0xFFFFF086  }
0x25: {  	[simem:s6], [sflag:s4] =	dma.local [hbm:s3], $0xF7A  }
0x26: {  	[smem:$0x3F98] =	sst s1;
	(tag) =	ssettag s2;
	_ =	strace s9  }
0x27: {  	s1 =	sld [smem:$0x3FA8]  }
0x28: {  	s2 =	sld [smem:$0x3FA9]  }
0x29: {  	s4 =	sld [smem:$0x3FAB]  }
0x2a: {  	p0 =	seq.s32 s5, $0x0;
	s5 =	sld [smem:$0x3FAC]  }
0x2b: {  	s6 =	sld [smem:$0x3FAD]  }
0x2c: {  	s7 =	sld [smem:$0x3FAE]  }
0x2d: {  	s3 =	simm.s32 $0x108;
	s8 =	sld [smem:$0x3FAF]  }
0x2e: {  	s3 =	simm.s32 @!p0 $0x1082;
	s9 =	sld [smem:$0x3FB0]  }
0x2f: {  	lr =	sadd.s32 s0, s3;
	s0 =	sld [smem:$0x3FA7]  }
0x30: {  	s3 =	sld [smem:$0x3FAA]  }
0x31: {  	[smem:$0x3FB3] =	sst s10  }
0x32: {  	s10 =	sld [smem:$0x3FB1];
	_ =	sdelay $0x3  }
0x33: {  	p0 =	seq.s32 s10, $0x1;
	s10 =	sld [smem:$0x3FB3];
	_ =	sdelay $0x3  }
0x34: {  	[smem:$0x3FB3] =	sst s10  }
0x35: {  	s10 =	sld [smem:$0x3FB2];
	_ =	sdelay $0x3  }
0x36: {  	p1 =	seq.s32 s10, $0x1;
	s10 =	sld [smem:$0x3FB3];
	_ =	sdelay $0x3  }
0x37: {  	[smem:$0x3FB3] =	sst s10  }
0x38: {  	s10 =	sld [smem:$0x3FB4]  }
0x39: {  	_ = 	snop;
	(pc) =	sbr.ind lr, $3  }
0x3a: {  	_ = 	snop  }
0x3b: {  	_ = 	snop  }
0x3c: {  	p2 =	seq.s32 s10, $0x1;
	s10 =	sld [smem:$0x3FB3]  }
0x3d: {  	_ =	shalt  }
0x3e: {  	_ =	shalt  }
0x3f: {  	_ =	shalt  }
0x40: {  	_ =	shalt  }
0x41: {  	_ =	shalt  }
0x42: {  	_ =	shalt  }
0x43: {  	_ =	shalt  }
0x44: {  	_ =	shalt  }
0x45: {  	_ =	shalt  }
0x46: {  	_ =	shalt  }
0x47: {  	_ =	shalt  }
0x48: {  	_ =	shalt  }
0x49: {  	_ =	shalt  }
0x4a: {  	_ =	shalt  }
0x4b: {  	_ =	shalt  }
0x4c: {  	_ =	shalt  }
0x4d: {  	_ =	shalt  }
0x4e: {  	_ =	shalt  }
0x4f: {  	_ =	shalt  }
0x50: {  	_ =	shalt  }
0x51: {  	_ =	shalt  }
0x52: {  	_ =	shalt  }
0x53: {  	_ =	shalt  }
0x54: {  	_ =	shalt  }
0x55: {  	_ =	shalt  }
0x56: {  	_ =	shalt  }
0x57: {  	_ =	shalt  }
0x58: {  	_ =	shalt  }
0x59: {  	_ =	shalt  }
0x5a: {  	_ =	shalt  }
0x5b: {  	_ =	shalt  }
0x5c: {  	_ =	shalt  }
0x5d: {  	_ =	shalt  }
0x5e: {  	_ =	shalt  }
0x5f: {  	_ =	shalt  }
0x60: {  	_ =	shalt  }
0x61: {  	_ =	shalt  }
0x62: {  	_ =	shalt  }
0x63: {  	_ =	shalt  }
0x64: {  	_ =	shalt  }
0x65: {  	_ =	shalt  }
0x66: {  	_ =	shalt  }
0x67: {  	_ =	shalt  }
0x68: {  	_ =	shalt  }
0x69: {  	_ =	shalt  }
0x6a: {  	_ =	shalt  }
0x6b: {  	_ =	shalt  }
0x6c: {  	_ =	shalt  }
0x6d: {  	_ =	shalt  }
0x6e: {  	_ =	shalt  }
0x6f: {  	_ =	shalt  }
0x70: {  	_ =	shalt  }
0x71: {  	_ =	shalt  }
0x72: {  	_ =	shalt  }
0x73: {  	_ =	shalt  }
0x74: {  	_ =	shalt  }
0x75: {  	_ =	shalt  }
0x76: {  	_ =	shalt  }
0x77: {  	_ =	shalt  }
0x78: {  	_ =	shalt  }
0x79: {  	_ =	shalt  }
0x7a: {  	_ =	shalt  }
0x7b: {  	_ =	shalt  }
0x7c: {  	_ =	shalt  }
0x7d: {  	_ =	shalt  }
0x7e: {  	_ =	shalt  }
0x7f: {  	_ =	shalt  }
0x80: {  	_ =	shalt  }
0x81: {  	_ =	shalt  }
0x82: {  	_ =	shalt  }
0x83: {  	_ =	shalt  }
0x84: {  	_ =	shalt  }
0x85: {  	_ =	shalt  }
0x86: {  	_ =	shalt  }
0x87: {  	_ =	shalt  }
.Lfunc_end0:
.L_simem_size_0:
called_computation.1_lowered:
.L_overlay_start_0:
0x88: {  	s2 =	sld [smem:$0x3FD9]  }
0x89: {  	s3 =	sld [smem:$0x3FFE];
	_ =	sdelay $0x1  }
0x8a: {  	s1 =	srdreg.scid  }
0x8b: {  	s0 =	sand.u32 $0x1, s1  }
0x8c: {  	s16 =	sshll.u32 s0, $0xA;
	s2 =	sadd.s32 s3, s2  }
0x8d: {  	s2 =	sadd.s32 s2, s16  }
0x8e: {  	[smem:$0x3FBF] =	sst s2  }
0x8f: {  	_ = 	snop  }
0x90: {  	(tm) =	ssettm $0x1  }
0x91: {  	s17 =	sld [smem:$0x3FFB];
	_ =	sdelay $0x3  }
0x92: {  	_ =	strace s17  }
0x93: {  	s2 =	sld [smem:$0x3FFC];
	_ =	sdelay $0x3  }
0x94: {  	_ =	strace s2  }
0x95: {  	s2 =	sld [smem:$0x3FFD];
	_ =	sdelay $0x3  }
0x96: {  	_ =	strace s2  }
0x97: {  	_ =	strace $0x8FFFFFFF  }
0x98: {  	s18 =	sld [smem:$0x3FDB];
	_ =	sdelay $0x1  }
0x99: {  	s19 =	simm.s32 $_scs_section_size  }
0x9a: {  	s4 =	simm.s32 $_size__tile_overlayer_lowered;
	s5 =	simm.s32 $_tile_overlayer_lowered  }
0x9b: {  	s22 =	simm.s32 $0x1BFF;
	s21 =	sshll.u32 s5, $0x1;
	s2 =	sadd.s32 s19, s18  }
0x9c: {  	s6 =	simm.s32 $0x0;
	s20 =	sshll.u32 s4, $0x1;
	s4 =	sadd.s32 s21, s2  }
0x9d: {  	[timem:s6], [sflag:s22] =	dma.local [hbm:s4], s20  }
0x9e: {  	_ =	swait.ge [sflag:s22], s20  }
0x9f: {  	s3 =	ssub.s32 $0x0, s20;
	[sflag:s22] =	ssyncset.done $0x0  }
0xa0: {  	[sflag:s22] =	ssyncadd.s32 s3;
	_ =	sdelay $0x1  }
0xa1: {  	s23 =	simm.s32 $0x1B8B  }
0xa2: {  	_ =	swait.ge [sflag:s23], $0x1  }
0xa3: {  	[sflag:s23] =	ssyncset.done $0x0  }
0xa4: {  	s25 =	simm.s32 $0x1B8E;
	s24 =	sld [smem:$0x3FFE];
	[sflag:s23] =	ssyncadd.s32 $0xFFFFFFFF  }
0xa5: {  	s26 =	simm.s32 $execute0_lowered;
	[smem:$0x3FD2] =	sst s25  }
0xa6: {  	s4 =	sshll.u32 s26, $0x1;
	_ =	strace $0x80000049;
	[dreg:$0x1] =	wrdreg $0xFFFFFFFF  }
0xa7: {  	s28 =	simm.s32 $_size_execute0_lowered;
	s2 =	sadd.s32 s2, s4;
	[dreg:$0x0] =	wrdreg $0x0  }
0xa8: {  	s4 =	sshll.u32 s28, $0x1;
	[dreg:$0x2] =	wrdreg s2  }
0xa9: {  	[dreg:$0x3] =	wrdreg s4  }
0xaa: {  	[dreg:$0x4] =	wrdreg $0xC0  }
0xab: {  	_ =	task [dreg:s6], $0x5FFFF  }
0xac: {  	[dreg:$0x1] =	wrdreg $0xFFFFFFFF  }
0xad: {  	[dreg:$0x0] =	wrdreg $0x60  }
0xae: {  	[dreg:$0x2] =	wrdreg s24  }
0xaf: {  	[dreg:$0x3] =	wrdreg $0x5FA00  }
0xb0: {  	[dreg:$0x4] =	wrdreg $0x9  }
0xb1: {  	_ =	task.clear_ibuf [dreg:s6], $0x5FFFF;
	_ =	strace $0x90000049  }
0xb2: {  	s29 =	simm.s32 $0x9;
	_ =	strace $0x8000004B  }
0xb3: {  	_ =	swait.ge [sflag:s29], $0x1  }
0xb4: {  	[sflag:s29] =	ssyncadd.s32 $0xFFFFFFFF  }
0xb5: {  	_ =	strace $0x9000004B  }
0xb6: {  	_ =	sfence  }
0xb7: {  	s30 =	sld [smem:$0x0];
	_ =	sdelay $0x2  }
0xb8: {  	s31 =	sshll.u32 s1, $0xD;
	s1 =	sshrl.u32 s1, $0x2  }
0xb9: {  	s3 =	sand.u32 $0x4000, s31;
	s1 =	sadd.s32 s1, s30  }
0xba: {  	s0 =	sor.u32 s3, s0;
	s1 =	sshll.u32 s1, $0x11  }
0xbb: {  	s0 =	sor.u32 s1, s0  }
0xbc: {  	s0 =	sadd.s32 $0x8F2B, s0  }
0xbd: {  	[sflag:s0] =	ssyncadd.remote.s32 $0x1  }
0xbe: {  	_ =	sfence.sel $0xFFFF  }
0xbf: {  	[dreg:$0x0] =	wrdreg $0xFFFFFFFF;
	(pc) =	sbr.abs _section_cstart, $3  }
0xc0: {  	[dreg:$0x1] =	wrdreg $0xFFFFFFFF  }
0xc1: {  	_ =	task.clear_ibuf [dreg:s6], $0x2FFFF;
	_ =	strace $0x9FFFFFFF  }
0xc2: {  	(tm) =	ssettm $0x7FFFFFFF  }
0xc3: {  	_ =	shalt  }
tec
execute0_lowered:
.L_overlay_start_1:
0x0: {  	(tag) =	ssettag $0x1  }
0x1: {  	s6 =	rddreg [dreg:$0x0]  }
0x2: {  	s0 =	srdreg.scid;
	s2 =	rddreg [dreg:$0x1]  }
0x3: {  	s3 =	simm.s32 $0x0;
	s14 =	simm.s32 $0x7D;
	s15 =	simm.s32 $0x5000  }
0x4: {  	s16 =	simm.s32 $0x57D0;
	s17 =	simm.s32 $0x1;
	s18 =	simm.s32 $0x2  }
0x5: {  	s19 =	simm.s32 $0x2780;
	s20 =	simm.s32 $0x4F00;
	s21 =	simm.s32 $0x4F80  }
0x6: {  	s22 =	simm.s32 $0x0;
	s5 =	sand.u32 $0x1, s0;
	s0 =	stileid.u32  }
0x7: {  	[smem:$0x7FF] =	sst s3;
	s4 =	sadd.s32 $0x1E00, s6;
	s8 =	smul.u32 $0x2710, s0  }
0x8: {  	s1 =	sshll.u32 s5, $0x4;
	s9 =	smul.u32 $0x27100, s5;
	s10 =	ssub.s32 $0x2, s5  }
0x9: {  	s5 =	sadd.s32 $0x17E00, s6;
	s12 =	sshll.u32 s0, $0x6;
	s1 =	sor.u32 s0, s1  }
0xa: {  	s11 =	sshrl.u32 s10, $0x1;
	s12 =	sor.u32 $0x1C03, s12;
	s7 =	smul.u32 $0x500, s1  }
0xb: {  	s1 =	rddreg [dreg:$0x2];
	_ =	strace $0x8000004A;
	s9 =	sadd.s32 s8, s9  }
0xc: {  	s10 =	ssub.s32 s10, s11;
	s13 =	sadd.s32 s8, s2;
	s11 =	simm.s32 $0x2800  }
0xd: {  	s9 =	sshrl.u32 s9, $0x3;
	s13 =	sshrl.u32 s13, $0x3;
	s7 =	sadd.s32 s7, s6  }
0xe: {  	s9 =	sadd.s32 s9, s6;
	s6 =	sadd.s32 $0x7CE00, s7;
	s7 =	sadd.s32 $0x72E00, s7  }
0xf: {  	s8 =	sadd.s32 $0x6E00, s9;
	s9 =	smax.u32 s10, $0x1;
	s10 =	simm.s32 $0x3  }
.LBB2_1:
0x10: {  	[tilespmem:s3], [sflag:$0x3] =	stream.linear.gather [hbm4b:s6+s3], $0x2800, $0x38;
	[tilespmem:$0x86B0] =	vst v63  }
0x11: {  	_ =	swait.ge [sflag:s10], $0x2800  }
0x12: {  	[sflag:s10] =	ssyncset.done $0x0  }
0x13: {  	[sflag:s10] =	ssyncadd.s32 $0xFFFFD800  }
0x14: {  	[tilespmem:s11], [sflag:$0x3] =	stream.linear.gather [hbm4b:s7+s3], $0x2800, $0x38;
	[tilespmem:$0x86B0] =	vst v63  }
0x15: {  	_ =	swait.ge [sflag:s10], $0x2800  }
0x16: {  	[sflag:s10] =	ssyncset.done $0x0  }
0x17: {  	[sflag:s10] =	ssyncadd.s32 $0xFFFFD800  }
0x18: {  	[spmem:s13], [sflag:s12] =	dma.local [hbm:s5], $0x4E2  }
0x19: {  	_ =	swait.ge [sflag:s10], $0x4E2  }
0x1a: {  	[sflag:s10] =	ssyncset.done $0x0  }
0x1b: {  	[sflag:s10] =	ssyncadd.s32 $0xFFFFFB1E  }
0x1c: {  	[bflag:$0x0] =	sbarrier.arrive $0xFFFF  }
0x1d: {  	[tilespmem:s15], [sflag:$0x1] =	stream.indirect.gather [hbm4b:s4+s14], $0x10, s3, s14, $0xb8;
	[tilespmem:$0x86B0] =	vst v63  }
0x1e: {  	s23 =	simm.s32 $0x80  }
0x1f: {  	[tilespmem:s16], [sflag:$0x2] =	stream.indirect.gather [hbm4b:s4+s14], $0x10, s23, s14, $0xb8;
	[tilespmem:$0x86B0] =	vst v63  }
0x20: {  	_ =	swait.ge [sflag:s17], $0x7D0  }
0x21: {  	[sflag:s17] =	ssyncset.done $0x0  }
0x22: {  	s29 =	simm.s32 $0x2800;
	[sflag:s17] =	ssyncadd.s32 $0xFFFFF830  }
0x23: {  	[spmem:s2] =	stream.indirect.scatter.add.f32 [tilespmem:s15], [sflag:$0x3], $0x10, s29, s14, $0xb8;
	[tilespmem:$0x86B0] =	vst v63  }
0x24: {  	_ =	swait.ge [sflag:s10], $0x7D0  }
0x25: {  	[sflag:s10] =	ssyncset.done $0x0  }
0x26: {  	s30 =	simm.s32 $0x100;
	[sflag:s10] =	ssyncadd.s32 $0xFFFFF830  }
0x27: {  	[tilespmem:s15], [sflag:$0x1] =	stream.indirect.gather [hbm4b:s4+s14], $0x10, s30, s14, $0xb8;
	[tilespmem:$0x86B0] =	vst v63  }
0x28: {  	_ =	swait.ge [sflag:s18], $0x7D0  }
0x29: {  	[sflag:s18] =	ssyncset.done $0x0  }
0x2a: {  	s31 =	simm.s32 $0x2880;
	[sflag:s18] =	ssyncadd.s32 $0xFFFFF830  }
0x2b: {  	[spmem:s2] =	stream.indirect.scatter.add.f32 [tilespmem:s16], [sflag:$0x3], $0x10, s31, s14, $0xb8;
	[tilespmem:$0x86B0] =	vst v63  }
0x2c: {  	_ =	swait.ge [sflag:s10], $0x7D0  }
0x2d: {  	s24 =	simm.s32 $0x800;
	s23 =	simm.s32 $0x100;
	[sflag:s10] =	ssyncset.done $0x0  }
.LBB2_2:
0x2e: {  	s25 =	sadd.s32 $0x80, s23  }
0x2f: {  	[sflag:s10] =	ssyncadd.s32 $0xFFFFF830;
	s26 =	smov.u32 s24;
	s28 =	sadd.s32 $0x400, s24  }
0x30: {  	[tilespmem:s16], [sflag:$0x2] =	stream.indirect.gather [hbm4b:s4+s14], $0x10, s25, s14, $0xb8;
	[tilespmem:$0x86B0] =	vst v63  }
0x31: {  	p0 =	sne.s32 s24, $0x9800;
	_ =	swait.ge [sflag:s17], $0x7D0  }
0x32: {  	[sflag:s17] =	ssyncset.done $0x0  }
0x33: {  	s24 =	sadd.s32 $0x2800, s23;
	[sflag:s17] =	ssyncadd.s32 $0xFFFFF830  }
0x34: {  	[spmem:s2] =	stream.indirect.scatter.add.f32 [tilespmem:s15], [sflag:$0x3], $0x10, s24, s14, $0xb8;
	[tilespmem:$0x86B0] =	vst v63  }
0x35: {  	_ =	swait.ge [sflag:s10], $0x7D0  }
0x36: {  	[sflag:s10] =	ssyncset.done $0x0  }
0x37: {  	s24 =	sadd.s32 $0x100, s23;
	[sflag:s10] =	ssyncadd.s32 $0xFFFFF830  }
0x38: {  	[tilespmem:s15], [sflag:$0x1] =	stream.indirect.gather [hbm4b:s4+s14], $0x10, s24, s14, $0xb8;
	[tilespmem:$0x86B0] =	vst v63  }
0x39: {  	_ =	swait.ge [sflag:s18], $0x7D0  }
.Ltmp0:
0x3a: {  	[sflag:s18] =	ssyncset.done $0x0;
	(pc) =	sbr.rel @p0 .LBB2_2-.Ltmp0, $4  }
0x3b: {  	s23 =	sadd.s32 $0x2880, s23;
	[sflag:s18] =	ssyncadd.s32 $0xFFFFF830  }
0x3c: {  	[spmem:s2] =	stream.indirect.scatter.add.f32 [tilespmem:s16], [sflag:$0x3], $0x10, s23, s14, $0xb8;
	[tilespmem:$0x86B0] =	vst v63  }
0x3d: {  	_ =	swait.ge [sflag:s10], $0x7D0  }
0x3e: {  	s24 =	smov.u32 s28;
	s23 =	sshra.s32 s26, $0x2;
	[sflag:s10] =	ssyncset.done $0x0  }
0x3f: {  	s24 =	sadd.s32 $0x80, s23;
	[sflag:s10] =	ssyncadd.s32 $0xFFFFF830  }
0x40: {  	[tilespmem:s16], [sflag:$0x2] =	stream.indirect.gather [hbm4b:s4+s14], $0x10, s24, s14, $0xb8;
	[tilespmem:$0x86B0] =	vst v63  }
0x41: {  	_ =	swait.ge [sflag:s17], $0x7D0  }
0x42: {  	[sflag:s17] =	ssyncset.done $0x0  }
0x43: {  	s29 =	sadd.s32 $0x2800, s23;
	[sflag:s17] =	ssyncadd.s32 $0xFFFFF830  }
0x44: {  	[spmem:s2] =	stream.indirect.scatter.add.f32 [tilespmem:s15], [sflag:$0x3], $0x10, s29, s14, $0xb8;
	[tilespmem:$0x86B0] =	vst v63  }
0x45: {  	_ =	swait.ge [sflag:s10], $0x7D0  }
0x46: {  	[sflag:s10] =	ssyncset.done $0x0  }
0x47: {  	s30 =	sadd.s32 $0x100, s23;
	[sflag:s10] =	ssyncadd.s32 $0xFFFFF830  }
0x48: {  	[tilespmem:s15], [sflag:$0x1] =	stream.indirect.gather [hbm4b:s4+s14], $0x10, s30, s14, $0xb8;
	[tilespmem:$0x86B0] =	vst v63  }
0x49: {  	_ =	swait.ge [sflag:s18], $0x7D0  }
0x4a: {  	[sflag:s18] =	ssyncset.done $0x0  }
0x4b: {  	s31 =	sadd.s32 $0x2880, s23;
	[sflag:s18] =	ssyncadd.s32 $0xFFFFF830  }
0x4c: {  	[spmem:s2] =	stream.indirect.scatter.add.f32 [tilespmem:s16], [sflag:$0x3], $0x10, s31, s14, $0xb8;
	[tilespmem:$0x86B0] =	vst v63  }
0x4d: {  	_ =	swait.ge [sflag:s10], $0x7D0  }
0x4e: {  	[sflag:s10] =	ssyncset.done $0x0  }
0x4f: {  	[sflag:s10] =	ssyncadd.s32 $0xFFFFF830  }
0x50: {  	[tilespmem:s16], [sflag:$0x2] =	stream.indirect.gather [hbm4b:s4+s14], $0x10, s19, s14, $0xb8;
	[tilespmem:$0x86B0] =	vst v63  }
0x51: {  	_ =	swait.ge [sflag:s17], $0x7D0  }
0x52: {  	[sflag:s17] =	ssyncset.done $0x0  }
0x53: {  	[sflag:s17] =	ssyncadd.s32 $0xFFFFF830  }
0x54: {  	[spmem:s2] =	stream.indirect.scatter.add.f32 [tilespmem:s15], [sflag:$0x3], $0x10, s20, s14, $0xb8;
	[tilespmem:$0x86B0] =	vst v63  }
0x55: {  	_ =	swait.ge [sflag:s10], $0x7D0  }
0x56: {  	[sflag:s10] =	ssyncset.done $0x0  }
0x57: {  	[sflag:s10] =	ssyncadd.s32 $0xFFFFF830  }
0x58: {  	_ =	swait.ge [sflag:s18], $0x7D0  }
0x59: {  	[sflag:s18] =	ssyncset.done $0x0  }
0x5a: {  	[sflag:s18] =	ssyncadd.s32 $0xFFFFF830  }
0x5b: {  	[spmem:s2] =	stream.indirect.scatter.add.f32 [tilespmem:s16], [sflag:$0x3], $0x10, s21, s14, $0xb8;
	[tilespmem:$0x86B0] =	vst v63  }
0x5c: {  	_ =	swait.ge [sflag:s10], $0x7D0  }
0x5d: {  	s22 =	sadd.s32 $0x1, s22;
	[sflag:s10] =	ssyncset.done $0x0  }
0x5e: {  	p0 =	sne.s32 s22, s9;
	[sflag:s10] =	ssyncadd.s32 $0xFFFFF830  }
.Ltmp1:
0x5f: {  	[bflag:$0x0] =	sbarrier.arrive $0xFFFF;
	(pc) =	sbr.rel @p0 .LBB2_1-.Ltmp1, $4  }
0x60: {  	[hbm:s8], [sflag:s12] =	dma.local [spmem:s13], $0x4E2  }
0x61: {  	_ =	swait.ge [sflag:s10], $0x4E2  }
0x62: {  	[sflag:s10] =	ssyncset.done $0x0  }
0x63: {  	[sflag:s10] =	ssyncadd.s32 $0xFFFFFB1E  }
0x64: {  	_ =	sfence.sel $0x180000  }
0x65: {  	[bflag:$0x0] =	sbarrier.arrive $0xFFFF  }
0x66: {  	p0 =	sne.s32 s0, $0x0;
	_ =	strace $0x9000004A  }
0x67: {  	s0 =	sadd.s32 @!p0 $0x100000, s1;
	[bflag:$0x2] =	sbarrier.arrive $0xFFFF  }
0x68: {  	[sflag:s0] =	ssyncadd.tile.s32 @!p0 $0x1;
	_ =	shalt  }
.Lfunc_end2:
_tile_overlayer_lowered:
.L_overlay_start_2:
0x69: {  	(tag) =	ssettag $0x2  }
0x6a: {  	s0 =	rddreg [dreg:$0x0];
	s2 =	stileid.u32  }
0x6b: {  	s1 =	rddreg [dreg:$0x1];
	p0 =	sne.s32 s2, $0x0  }
0x6c: {  	s3 =	rddreg [dreg:$0x2];
	[bflag:$0x3] =	sbarrier.arrive $0xFFFF;
	s2 =	simm.s32 @!p0 $0x1C03  }
0x6d: {  	[timem:s3], [sflag:s2] =	dma.local @!p0 [hbm:s0], s1  }
0x6e: {  	s0 =	simm.s32 @!p0 $0x3  }
0x6f: {  	_ =	swait.ge @!p0 [sflag:s0], s1  }
0x70: {  	s1 =	ssub.s32 @!p0 $0x0, s1;
	[sflag:s0] =	ssyncset.done @!p0 $0x0  }
0x71: {  	[sflag:s0] =	ssyncadd.s32 @!p0 s1  }
0x72: {  	[bflag:$0x3] =	sbarrier.arrive $0xFFFF  }
0x73: {  	_ =	shalt  }

</sc_bundles>
